<compile_context>
chip_gen: v7x
topology: tpu7x:2x2x1
jax: 0.10.2.dev20260603
libtpu: 0.0.44.dev20260713+nightly
codegen_flags: <defaults>
</compile_context>

<pallas_src>
import functools
import jax
import jax.numpy as jnp
from jax import lax
from jax.experimental import pallas as pl
from jax.experimental.pallas import tpu as pltpu
from jax.experimental.pallas import tpu_sc as plsc

_ROWS, _COLS = 16384, 200
_N = _ROWS * _COLS
_NC, _NS, _L = 2, 16, 16
_NW = _NC * _NS
_PER_W = _N // _NW
_CHUNK = 10240
_NCHUNK = _PER_W // _CHUNK
_TBL = 128

_mesh = plsc.VectorSubcoreMesh(
    core_axis_name="c", subcore_axis_name="s",
    num_cores=_NC, num_subcores=_NS,
)


@functools.partial(
    pl.kernel,
    out_type=jax.ShapeDtypeStruct((_N,), jnp.float32),
    mesh=_mesh,
    compiler_params=pltpu.CompilerParams(needs_layout_passes=False),
    scratch_types=[
        pltpu.VMEM((_TBL,), jnp.float32),
        pltpu.VMEM((_CHUNK,), jnp.float32),
        pltpu.VMEM((_CHUNK,), jnp.float32),
        pltpu.VMEM((_CHUNK,), jnp.int32),
        pltpu.VMEM((_CHUNK,), jnp.int32),
        pltpu.VMEM((_CHUNK,), jnp.float32),
        pltpu.VMEM((_CHUNK,), jnp.float32),
        pltpu.SemaphoreType.DMA((2,)),
        pltpu.SemaphoreType.DMA((2,)),
    ],
)
def _expmult_sc(x_hbm, n_hbm, w_hbm, out_hbm, tbl_v, x0_v, x1_v, n0_v, n1_v,
                o0_v, o1_v, in_sem, out_sem):
    wid = lax.axis_index("s") * _NC + lax.axis_index("c")
    base = wid * _PER_W
    pltpu.sync_copy(w_hbm, tbl_v)
    x_bufs = (x0_v, x1_v)
    n_bufs = (n0_v, n1_v)
    o_bufs = (o0_v, o1_v)

    def issue_in(c):
        slot = c % 2
        sl = pl.ds(base + c * _CHUNK, _CHUNK)
        hx = pltpu.async_copy(x_hbm.at[sl], x_bufs[slot], in_sem.at[slot])
        hn = pltpu.async_copy(n_hbm.at[sl], n_bufs[slot], in_sem.at[slot])
        return hx, hn

    in_h = [None, None]
    out_h = [None, None]
    in_h[0] = issue_in(0)

    for c in range(_NCHUNK):
        slot = c % 2
        if c + 1 < _NCHUNK:
            in_h[(c + 1) % 2] = issue_in(c + 1)
        hx, hn = in_h[slot]
        hx.wait()
        hn.wait()
        if out_h[slot] is not None:
            out_h[slot].wait()

        xs = x_bufs[slot]
        ns = n_bufs[slot]
        os_ = o_bufs[slot]

        @plsc.parallel_loop(0, _CHUNK // _L, unroll=8)
        def body(j):
            s = pl.ds(j * _L, _L)
            scale = plsc.load_gather(tbl_v, [ns[s]])
            os_[s] = scale * jnp.exp(xs[s])

        out_h[slot] = pltpu.async_copy(
            o_bufs[slot], out_hbm.at[pl.ds(base + c * _CHUNK, _CHUNK)],
            out_sem.at[slot])

    out_h[(_NCHUNK - 1) % 2].wait()
    out_h[_NCHUNK % 2].wait()


def kernel(x, numbers, weights):
    out = _expmult_sc(x.reshape(_N), numbers.reshape(_N), weights)
    return out.reshape(_ROWS, _COLS)

# --- scband reference (transcript-rebuilt; emitter-appended) ---
"""Pipeline reference for scband-exp-mult-47991964566162 (READ-ONLY COPY).

The authoritative reference and input builder live on the scoring server;
editing this copy changes nothing except your own understanding.
"""

import jax, jax.numpy as jnp
import numpy as np


def setup_inputs(seed: int = 0) -> dict:
    key = jax.random.key(seed)
    k1, k2, k3 = jax.random.split(key, 3)
    x = jax.random.normal(k1, (16384, 200), dtype=jnp.float32)
    numbers = jax.random.randint(k2, (16384, 200), 0, 128, dtype=jnp.int32)
    # Learned per-index scale table (module's `weights`, size 128). The torch
    # module initializes it to zeros unless `data` is provided; we use random
    # values so the computation is non-degenerate.
    weights = jax.random.normal(k3, (128,), dtype=jnp.float32)
    return {"x": x, "numbers": numbers, "weights": weights}


def reference(x, numbers, weights):
    # data[key_out] = weights[data['numbers']] * data[key_in].exp()
    scale = jnp.take(weights, numbers, axis=0)  # gather: [16384, 200]
    return scale * jnp.exp(x)

if __name__ == "__main__":
    import jax
    _d = setup_inputs()
    print(jax.jit(kernel)(*tuple(_d.values())))

</pallas_src>

<mosaic_0001>
#map = affine_map<(d0, d1) -> (0)>
module attributes {stable_mosaic.version = 14 : i64} {
  func.func @_expmult_sc(%arg0: i32, %arg1: i32, %arg2: memref<3276800xf32, #tpu.memory_space<hbm>>, %arg3: memref<3276800xi32, #tpu.memory_space<hbm>>, %arg4: memref<128xf32, #tpu.memory_space<hbm>>, %arg5: memref<3276800xf32, #tpu.memory_space<hbm>>, %arg6: memref<128xf32, #tpu.memory_space<vmem>>, %arg7: memref<10240xf32, #tpu.memory_space<vmem>>, %arg8: memref<10240xf32, #tpu.memory_space<vmem>>, %arg9: memref<10240xi32, #tpu.memory_space<vmem>>, %arg10: memref<10240xi32, #tpu.memory_space<vmem>>, %arg11: memref<10240xf32, #tpu.memory_space<vmem>>, %arg12: memref<10240xf32, #tpu.memory_space<vmem>>, %arg13: memref<2x!tpu.dma_semaphore, #tpu.memory_space<semaphore_mem>>, %arg14: memref<2x!tpu.dma_semaphore, #tpu.memory_space<semaphore_mem>>) attributes {dimension_semantics = [#tpu.dimension_semantics<core_parallel>, #tpu.dimension_semantics<subcore_parallel>], iteration_bounds = array<i64: 2, 16>, scalar_prefetch = 0 : i64, scratch_operands = 9 : i64, tpu.core_type = #tpu.core_type<sc_vector_subcore>, window_params = [{transform_indices = #map}, {transform_indices = #map}, {transform_indices = #map}, {transform_indices = #map}]} {
    %mul3A = arith.constant 2 : i32
    %mul3A_0 = arith.muli %arg1, %mul3A : i32
    %add3A = arith.addi %mul3A_0, %arg0 : i32
    %mul3A_1 = arith.constant 102400 : i32
    %mul3A_2 = arith.muli %add3A, %mul3A_1 : i32
    "tpu.region"() ({
      %run_scoped3A = tpu.sem_alloc : memref<!tpu.dma_semaphore, #tpu.memory_space<semaphore_mem>>
      tpu.enqueue_dma source(%arg4 : memref<128xf32, #tpu.memory_space<hbm>>) target(%arg6 : memref<128xf32, #tpu.memory_space<vmem>>) target_semaphore(%run_scoped3A : memref<!tpu.dma_semaphore, #tpu.memory_space<semaphore_mem>>)
      tpu.wait_dma2 semaphore(%run_scoped3A : memref<!tpu.dma_semaphore, #tpu.memory_space<semaphore_mem>>) src(%arg4 : memref<128xf32, #tpu.memory_space<hbm>>) dst(%arg6 : memref<128xf32, #tpu.memory_space<vmem>>)
      tpu.yield
    }) : () -> ()
    %add3A_3 = arith.constant 0 : i32
    %add3A_4 = arith.addi %mul3A_2, %add3A_3 : i32
    %dma_start3A = arith.constant 0 : i32
    %dma_start3A_5 = tpu.memref_slice %arg2[%add3A_4] : memref<3276800xf32, #tpu.memory_space<hbm>> -> memref<10240xf32, #tpu.memory_space<hbm>>
    %dma_start3A_6 = tpu.memref_slice %arg13[%dma_start3A] : memref<2x!tpu.dma_semaphore, #tpu.memory_space<semaphore_mem>> -> memref<1x!tpu.dma_semaphore, #tpu.memory_space<semaphore_mem>>
    %dma_start3A_7 = tpu.memref_squeeze %dma_start3A_6 : memref<1x!tpu.dma_semaphore, #tpu.memory_space<semaphore_mem>> -> memref<!tpu.dma_semaphore, #tpu.memory_space<semaphore_mem>>
    %dma_start3A_8 = tpu.memref_slice %arg2[%add3A_4] : memref<3276800xf32, #tpu.memory_space<hbm>> -> memref<10240xf32, #tpu.memory_space<hbm>>
    tpu.enqueue_dma source(%dma_start3A_8 : memref<10240xf32, #tpu.memory_space<hbm>>) target(%arg7 : memref<10240xf32, #tpu.memory_space<vmem>>) target_semaphore(%dma_start3A_7 : memref<!tpu.dma_semaphore, #tpu.memory_space<semaphore_mem>>)
    %dma_start3A_9 = arith.constant 0 : i32
    %dma_start3A_10 = tpu.memref_slice %arg3[%add3A_4] : memref<3276800xi32, #tpu.memory_space<hbm>> -> memref<10240xi32, #tpu.memory_space<hbm>>
    %dma_start3A_11 = tpu.memref_slice %arg13[%dma_start3A_9] : memref<2x!tpu.dma_semaphore, #tpu.memory_space<semaphore_mem>> -> memref<1x!tpu.dma_semaphore, #tpu.memory_space<semaphore_mem>>
    %dma_start3A_12 = tpu.memref_squeeze %dma_start3A_11 : memref<1x!tpu.dma_semaphore, #tpu.memory_space<semaphore_mem>> -> memref<!tpu.dma_semaphore, #tpu.memory_space<semaphore_mem>>
    %dma_start3A_13 = tpu.memref_slice %arg3[%add3A_4] : memref<3276800xi32, #tpu.memory_space<hbm>> -> memref<10240xi32, #tpu.memory_space<hbm>>
    tpu.enqueue_dma source(%dma_start3A_13 : memref<10240xi32, #tpu.memory_space<hbm>>) target(%arg9 : memref<10240xi32, #tpu.memory_space<vmem>>) target_semaphore(%dma_start3A_12 : memref<!tpu.dma_semaphore, #tpu.memory_space<semaphore_mem>>)
    %add3A_14 = arith.constant 10240 : i32
    %add3A_15 = arith.addi %mul3A_2, %add3A_14 : i32
    %dma_start3A_16 = arith.constant 1 : i32
    %dma_start3A_17 = tpu.memref_slice %arg2[%add3A_15] : memref<3276800xf32, #tpu.memory_space<hbm>> -> memref<10240xf32, #tpu.memory_space<hbm>>
    %dma_start3A_18 = tpu.memref_slice %arg13[%dma_start3A_16] : memref<2x!tpu.dma_semaphore, #tpu.memory_space<semaphore_mem>> -> memref<1x!tpu.dma_semaphore, #tpu.memory_space<semaphore_mem>>
    %dma_start3A_19 = tpu.memref_squeeze %dma_start3A_18 : memref<1x!tpu.dma_semaphore, #tpu.memory_space<semaphore_mem>> -> memref<!tpu.dma_semaphore, #tpu.memory_space<semaphore_mem>>
    %dma_start3A_20 = tpu.memref_slice %arg2[%add3A_15] : memref<3276800xf32, #tpu.memory_space<hbm>> -> memref<10240xf32, #tpu.memory_space<hbm>>
    tpu.enqueue_dma source(%dma_start3A_20 : memref<10240xf32, #tpu.memory_space<hbm>>) target(%arg8 : memref<10240xf32, #tpu.memory_space<vmem>>) target_semaphore(%dma_start3A_19 : memref<!tpu.dma_semaphore, #tpu.memory_space<semaphore_mem>>)
    %dma_start3A_21 = arith.constant 1 : i32
    %dma_start3A_22 = tpu.memref_slice %arg3[%add3A_15] : memref<3276800xi32, #tpu.memory_space<hbm>> -> memref<10240xi32, #tpu.memory_space<hbm>>
    %dma_start3A_23 = tpu.memref_slice %arg13[%dma_start3A_21] : memref<2x!tpu.dma_semaphore, #tpu.memory_space<semaphore_mem>> -> memref<1x!tpu.dma_semaphore, #tpu.memory_space<semaphore_mem>>
    %dma_start3A_24 = tpu.memref_squeeze %dma_start3A_23 : memref<1x!tpu.dma_semaphore, #tpu.memory_space<semaphore_mem>> -> memref<!tpu.dma_semaphore, #tpu.memory_space<semaphore_mem>>
    %dma_start3A_25 = tpu.memref_slice %arg3[%add3A_15] : memref<3276800xi32, #tpu.memory_space<hbm>> -> memref<10240xi32, #tpu.memory_space<hbm>>
    tpu.enqueue_dma source(%dma_start3A_25 : memref<10240xi32, #tpu.memory_space<hbm>>) target(%arg10 : memref<10240xi32, #tpu.memory_space<vmem>>) target_semaphore(%dma_start3A_24 : memref<!tpu.dma_semaphore, #tpu.memory_space<semaphore_mem>>)
    %dma_wait3A = arith.constant 0 : i32
    %dma_wait3A_26 = tpu.memref_slice %arg2[%add3A_4] : memref<3276800xf32, #tpu.memory_space<hbm>> -> memref<10240xf32, #tpu.memory_space<hbm>>
    %dma_wait3A_27 = tpu.memref_slice %arg13[%dma_wait3A] : memref<2x!tpu.dma_semaphore, #tpu.memory_space<semaphore_mem>> -> memref<1x!tpu.dma_semaphore, #tpu.memory_space<semaphore_mem>>
    %dma_wait3A_28 = tpu.memref_squeeze %dma_wait3A_27 : memref<1x!tpu.dma_semaphore, #tpu.memory_space<semaphore_mem>> -> memref<!tpu.dma_semaphore, #tpu.memory_space<semaphore_mem>>
    %dma_wait3A_29 = tpu.memref_slice %arg2[%add3A_4] : memref<3276800xf32, #tpu.memory_space<hbm>> -> memref<10240xf32, #tpu.memory_space<hbm>>
    tpu.wait_dma2 semaphore(%dma_wait3A_28 : memref<!tpu.dma_semaphore, #tpu.memory_space<semaphore_mem>>) src(%dma_wait3A_29 : memref<10240xf32, #tpu.memory_space<hbm>>) dst(%arg7 : memref<10240xf32, #tpu.memory_space<vmem>>)
    %dma_wait3A_30 = arith.constant 0 : i32
    %dma_wait3A_31 = tpu.memref_slice %arg3[%add3A_4] : memref<3276800xi32, #tpu.memory_space<hbm>> -> memref<10240xi32, #tpu.memory_space<hbm>>
    %dma_wait3A_32 = tpu.memref_slice %arg13[%dma_wait3A_30] : memref<2x!tpu.dma_semaphore, #tpu.memory_space<semaphore_mem>> -> memref<1x!tpu.dma_semaphore, #tpu.memory_space<semaphore_mem>>
    %dma_wait3A_33 = tpu.memref_squeeze %dma_wait3A_32 : memref<1x!tpu.dma_semaphore, #tpu.memory_space<semaphore_mem>> -> memref<!tpu.dma_semaphore, #tpu.memory_space<semaphore_mem>>
    %dma_wait3A_34 = tpu.memref_slice %arg3[%add3A_4] : memref<3276800xi32, #tpu.memory_space<hbm>> -> memref<10240xi32, #tpu.memory_space<hbm>>
    tpu.wait_dma2 semaphore(%dma_wait3A_33 : memref<!tpu.dma_semaphore, #tpu.memory_space<semaphore_mem>>) src(%dma_wait3A_34 : memref<10240xi32, #tpu.memory_space<hbm>>) dst(%arg9 : memref<10240xi32, #tpu.memory_space<vmem>>)
    %parallel_loop3A = arith.constant 0 : i32
    %parallel_loop3A_35 = arith.constant 640 : i32
    %parallel_loop3A_36 = arith.constant 1 : i32
    scf.for %parallel_loop3A_370 = %parallel_loop3A to %parallel_loop3A_35 step %parallel_loop3A_36  : i32 {
      %parallel_loop3A_371 = arith.constant 16 : i32
      %parallel_loop3A_372 = arith.muli %parallel_loop3A_370, %parallel_loop3A_371 : i32
      %parallel_loop3A_373 = arith.index_cast %parallel_loop3A_372 : i32 to index
      %parallel_loop3A_374 = tpu.vector_load %arg9[%parallel_loop3A_373] {strides = array<i32>} : memref<10240xi32, #tpu.memory_space<vmem>>, vector<16xi32>,
      %parallel_loop3A_375 = tpu.vector_load_idx %arg6[%parallel_loop3A_374] : memref<128xf32, #tpu.memory_space<vmem>>[vector<16xi32>], vector<16xf32>,
      %parallel_loop3A_376 = arith.index_cast %parallel_loop3A_372 : i32 to index
      %parallel_loop3A_377 = tpu.vector_load %arg7[%parallel_loop3A_376] {strides = array<i32>} : memref<10240xf32, #tpu.memory_space<vmem>>, vector<16xf32>,
      %parallel_loop3A_378 = math.exp %parallel_loop3A_377 : vector<16xf32>
      %parallel_loop3A_379 = arith.mulf %parallel_loop3A_375, %parallel_loop3A_378 : vector<16xf32>
      %parallel_loop3A_380 = arith.index_cast %parallel_loop3A_372 : i32 to index
      %parallel_loop3A_381 = tpu.vector_load %arg11[%parallel_loop3A_380] {strides = array<i32>} : memref<10240xf32, #tpu.memory_space<vmem>>, vector<16xf32>,
      tpu.vector_store %arg11[%parallel_loop3A_380], %parallel_loop3A_379 {strides = array<i32>} : memref<10240xf32, #tpu.memory_space<vmem>>, vector<16xf32>,
    } {sc.loop_unroll_factor = 8 : i64, sc.parallel_access}
    %add3A_37 = arith.constant 0 : i32
    %add3A_38 = arith.addi %mul3A_2, %add3A_37 : i32
    %dma_start3A_39 = arith.constant 0 : i32
    %dma_start3A_40 = tpu.memref_slice %arg5[%add3A_38] : memref<3276800xf32, #tpu.memory_space<hbm>> -> memref<10240xf32, #tpu.memory_space<hbm>>
    %dma_start3A_41 = tpu.memref_slice %arg14[%dma_start3A_39] : memref<2x!tpu.dma_semaphore, #tpu.memory_space<semaphore_mem>> -> memref<1x!tpu.dma_semaphore, #tpu.memory_space<semaphore_mem>>
    %dma_start3A_42 = tpu.memref_squeeze %dma_start3A_41 : memref<1x!tpu.dma_semaphore, #tpu.memory_space<semaphore_mem>> -> memref<!tpu.dma_semaphore, #tpu.memory_space<semaphore_mem>>
    %dma_start3A_43 = tpu.memref_slice %arg5[%add3A_38] : memref<3276800xf32, #tpu.memory_space<hbm>> -> memref<10240xf32, #tpu.memory_space<hbm>>
    tpu.enqueue_dma source(%arg11 : memref<10240xf32, #tpu.memory_space<vmem>>) target(%dma_start3A_43 : memref<10240xf32, #tpu.memory_space<hbm>>) target_semaphore(%dma_start3A_42 : memref<!tpu.dma_semaphore, #tpu.memory_space<semaphore_mem>>)
    %add3A_44 = arith.constant 20480 : i32
    %add3A_45 = arith.addi %mul3A_2, %add3A_44 : i32
    %dma_start3A_46 = arith.constant 0 : i32
    %dma_start3A_47 = tpu.memref_slice %arg2[%add3A_45] : memref<3276800xf32, #tpu.memory_space<hbm>> -> memref<10240xf32, #tpu.memory_space<hbm>>
    %dma_start3A_48 = tpu.memref_slice %arg13[%dma_start3A_46] : memref<2x!tpu.dma_semaphore, #tpu.memory_space<semaphore_mem>> -> memref<1x!tpu.dma_semaphore, #tpu.memory_space<semaphore_mem>>
    %dma_start3A_49 = tpu.memref_squeeze %dma_start3A_48 : memref<1x!tpu.dma_semaphore, #tpu.memory_space<semaphore_mem>> -> memref<!tpu.dma_semaphore, #tpu.memory_space<semaphore_mem>>
    %dma_start3A_50 = tpu.memref_slice %arg2[%add3A_45] : memref<3276800xf32, #tpu.memory_space<hbm>> -> memref<10240xf32, #tpu.memory_space<hbm>>
    tpu.enqueue_dma source(%dma_start3A_50 : memref<10240xf32, #tpu.memory_space<hbm>>) target(%arg7 : memref<10240xf32, #tpu.memory_space<vmem>>) target_semaphore(%dma_start3A_49 : memref<!tpu.dma_semaphore, #tpu.memory_space<semaphore_mem>>)
    %dma_start3A_51 = arith.constant 0 : i32
    %dma_start3A_52 = tpu.memref_slice %arg3[%add3A_45] : memref<3276800xi32, #tpu.memory_space<hbm>> -> memref<10240xi32, #tpu.memory_space<hbm>>
    %dma_start3A_53 = tpu.memref_slice %arg13[%dma_start3A_51] : memref<2x!tpu.dma_semaphore, #tpu.memory_space<semaphore_mem>> -> memref<1x!tpu.dma_semaphore, #tpu.memory_space<semaphore_mem>>
    %dma_start3A_54 = tpu.memref_squeeze %dma_start3A_53 : memref<1x!tpu.dma_semaphore, #tpu.memory_space<semaphore_mem>> -> memref<!tpu.dma_semaphore, #tpu.memory_space<semaphore_mem>>
    %dma_start3A_55 = tpu.memref_slice %arg3[%add3A_45] : memref<3276800xi32, #tpu.memory_space<hbm>> -> memref<10240xi32, #tpu.memory_space<hbm>>
    tpu.enqueue_dma source(%dma_start3A_55 : memref<10240xi32, #tpu.memory_space<hbm>>) target(%arg9 : memref<10240xi32, #tpu.memory_space<vmem>>) target_semaphore(%dma_start3A_54 : memref<!tpu.dma_semaphore, #tpu.memory_space<semaphore_mem>>)
    %dma_wait3A_56 = arith.constant 1 : i32
    %dma_wait3A_57 = tpu.memref_slice %arg2[%add3A_15] : memref<3276800xf32, #tpu.memory_space<hbm>> -> memref<10240xf32, #tpu.memory_space<hbm>>
    %dma_wait3A_58 = tpu.memref_slice %arg13[%dma_wait3A_56] : memref<2x!tpu.dma_semaphore, #tpu.memory_space<semaphore_mem>> -> memref<1x!tpu.dma_semaphore, #tpu.memory_space<semaphore_mem>>
    %dma_wait3A_59 = tpu.memref_squeeze %dma_wait3A_58 : memref<1x!tpu.dma_semaphore, #tpu.memory_space<semaphore_mem>> -> memref<!tpu.dma_semaphore, #tpu.memory_space<semaphore_mem>>
    %dma_wait3A_60 = tpu.memref_slice %arg2[%add3A_15] : memref<3276800xf32, #tpu.memory_space<hbm>> -> memref<10240xf32, #tpu.memory_space<hbm>>
    tpu.wait_dma2 semaphore(%dma_wait3A_59 : memref<!tpu.dma_semaphore, #tpu.memory_space<semaphore_mem>>) src(%dma_wait3A_60 : memref<10240xf32, #tpu.memory_space<hbm>>) dst(%arg8 : memref<10240xf32, #tpu.memory_space<vmem>>)
    %dma_wait3A_61 = arith.constant 1 : i32
    %dma_wait3A_62 = tpu.memref_slice %arg3[%add3A_15] : memref<3276800xi32, #tpu.memory_space<hbm>> -> memref<10240xi32, #tpu.memory_space<hbm>>
    %dma_wait3A_63 = tpu.memref_slice %arg13[%dma_wait3A_61] : memref<2x!tpu.dma_semaphore, #tpu.memory_space<semaphore_mem>> -> memref<1x!tpu.dma_semaphore, #tpu.memory_space<semaphore_mem>>
    %dma_wait3A_64 = tpu.memref_squeeze %dma_wait3A_63 : memref<1x!tpu.dma_semaphore, #tpu.memory_space<semaphore_mem>> -> memref<!tpu.dma_semaphore, #tpu.memory_space<semaphore_mem>>
    %dma_wait3A_65 = tpu.memref_slice %arg3[%add3A_15] : memref<3276800xi32, #tpu.memory_space<hbm>> -> memref<10240xi32, #tpu.memory_space<hbm>>
    tpu.wait_dma2 semaphore(%dma_wait3A_64 : memref<!tpu.dma_semaphore, #tpu.memory_space<semaphore_mem>>) src(%dma_wait3A_65 : memref<10240xi32, #tpu.memory_space<hbm>>) dst(%arg10 : memref<10240xi32, #tpu.memory_space<vmem>>)
    %parallel_loop3A_66 = arith.constant 0 : i32
    %parallel_loop3A_67 = arith.constant 640 : i32
    %parallel_loop3A_68 = arith.constant 1 : i32
    scf.for %parallel_loop3A_370 = %parallel_loop3A_66 to %parallel_loop3A_67 step %parallel_loop3A_68  : i32 {
      %parallel_loop3A_371 = arith.constant 16 : i32
      %parallel_loop3A_372 = arith.muli %parallel_loop3A_370, %parallel_loop3A_371 : i32
      %parallel_loop3A_373 = arith.index_cast %parallel_loop3A_372 : i32 to index
      %parallel_loop3A_374 = tpu.vector_load %arg10[%parallel_loop3A_373] {strides = array<i32>} : memref<10240xi32, #tpu.memory_space<vmem>>, vector<16xi32>,
      %parallel_loop3A_375 = tpu.vector_load_idx %arg6[%parallel_loop3A_374] : memref<128xf32, #tpu.memory_space<vmem>>[vector<16xi32>], vector<16xf32>,
      %parallel_loop3A_376 = arith.index_cast %parallel_loop3A_372 : i32 to index
      %parallel_loop3A_377 = tpu.vector_load %arg8[%parallel_loop3A_376] {strides = array<i32>} : memref<10240xf32, #tpu.memory_space<vmem>>, vector<16xf32>,
      %parallel_loop3A_378 = math.exp %parallel_loop3A_377 : vector<16xf32>
      %parallel_loop3A_379 = arith.mulf %parallel_loop3A_375, %parallel_loop3A_378 : vector<16xf32>
      %parallel_loop3A_380 = arith.index_cast %parallel_loop3A_372 : i32 to index
      %parallel_loop3A_381 = tpu.vector_load %arg12[%parallel_loop3A_380] {strides = array<i32>} : memref<10240xf32, #tpu.memory_space<vmem>>, vector<16xf32>,
      tpu.vector_store %arg12[%parallel_loop3A_380], %parallel_loop3A_379 {strides = array<i32>} : memref<10240xf32, #tpu.memory_space<vmem>>, vector<16xf32>,
    } {sc.loop_unroll_factor = 8 : i64, sc.parallel_access}
    %add3A_69 = arith.constant 10240 : i32
    %add3A_70 = arith.addi %mul3A_2, %add3A_69 : i32
    %dma_start3A_71 = arith.constant 1 : i32
    %dma_start3A_72 = tpu.memref_slice %arg5[%add3A_70] : memref<3276800xf32, #tpu.memory_space<hbm>> -> memref<10240xf32, #tpu.memory_space<hbm>>
    %dma_start3A_73 = tpu.memref_slice %arg14[%dma_start3A_71] : memref<2x!tpu.dma_semaphore, #tpu.memory_space<semaphore_mem>> -> memref<1x!tpu.dma_semaphore, #tpu.memory_space<semaphore_mem>>
    %dma_start3A_74 = tpu.memref_squeeze %dma_start3A_73 : memref<1x!tpu.dma_semaphore, #tpu.memory_space<semaphore_mem>> -> memref<!tpu.dma_semaphore, #tpu.memory_space<semaphore_mem>>
    %dma_start3A_75 = tpu.memref_slice %arg5[%add3A_70] : memref<3276800xf32, #tpu.memory_space<hbm>> -> memref<10240xf32, #tpu.memory_space<hbm>>
    tpu.enqueue_dma source(%arg12 : memref<10240xf32, #tpu.memory_space<vmem>>) target(%dma_start3A_75 : memref<10240xf32, #tpu.memory_space<hbm>>) target_semaphore(%dma_start3A_74 : memref<!tpu.dma_semaphore, #tpu.memory_space<semaphore_mem>>)
    %add3A_76 = arith.constant 30720 : i32
    %add3A_77 = arith.addi %mul3A_2, %add3A_76 : i32
    %dma_start3A_78 = arith.constant 1 : i32
    %dma_start3A_79 = tpu.memref_slice %arg2[%add3A_77] : memref<3276800xf32, #tpu.memory_space<hbm>> -> memref<10240xf32, #tpu.memory_space<hbm>>
    %dma_start3A_80 = tpu.memref_slice %arg13[%dma_start3A_78] : memref<2x!tpu.dma_semaphore, #tpu.memory_space<semaphore_mem>> -> memref<1x!tpu.dma_semaphore, #tpu.memory_space<semaphore_mem>>
    %dma_start3A_81 = tpu.memref_squeeze %dma_start3A_80 : memref<1x!tpu.dma_semaphore, #tpu.memory_space<semaphore_mem>> -> memref<!tpu.dma_semaphore, #tpu.memory_space<semaphore_mem>>
    %dma_start3A_82 = tpu.memref_slice %arg2[%add3A_77] : memref<3276800xf32, #tpu.memory_space<hbm>> -> memref<10240xf32, #tpu.memory_space<hbm>>
    tpu.enqueue_dma source(%dma_start3A_82 : memref<10240xf32, #tpu.memory_space<hbm>>) target(%arg8 : memref<10240xf32, #tpu.memory_space<vmem>>) target_semaphore(%dma_start3A_81 : memref<!tpu.dma_semaphore, #tpu.memory_space<semaphore_mem>>)
    %dma_start3A_83 = arith.constant 1 : i32
    %dma_start3A_84 = tpu.memref_slice %arg3[%add3A_77] : memref<3276800xi32, #tpu.memory_space<hbm>> -> memref<10240xi32, #tpu.memory_space<hbm>>
    %dma_start3A_85 = tpu.memref_slice %arg13[%dma_start3A_83] : memref<2x!tpu.dma_semaphore, #tpu.memory_space<semaphore_mem>> -> memref<1x!tpu.dma_semaphore, #tpu.memory_space<semaphore_mem>>
    %dma_start3A_86 = tpu.memref_squeeze %dma_start3A_85 : memref<1x!tpu.dma_semaphore, #tpu.memory_space<semaphore_mem>> -> memref<!tpu.dma_semaphore, #tpu.memory_space<semaphore_mem>>
    %dma_start3A_87 = tpu.memref_slice %arg3[%add3A_77] : memref<3276800xi32, #tpu.memory_space<hbm>> -> memref<10240xi32, #tpu.memory_space<hbm>>
    tpu.enqueue_dma source(%dma_start3A_87 : memref<10240xi32, #tpu.memory_space<hbm>>) target(%arg10 : memref<10240xi32, #tpu.memory_space<vmem>>) target_semaphore(%dma_start3A_86 : memref<!tpu.dma_semaphore, #tpu.memory_space<semaphore_mem>>)
    %dma_wait3A_88 = arith.constant 0 : i32
    %dma_wait3A_89 = tpu.memref_slice %arg2[%add3A_45] : memref<3276800xf32, #tpu.memory_space<hbm>> -> memref<10240xf32, #tpu.memory_space<hbm>>
    %dma_wait3A_90 = tpu.memref_slice %arg13[%dma_wait3A_88] : memref<2x!tpu.dma_semaphore, #tpu.memory_space<semaphore_mem>> -> memref<1x!tpu.dma_semaphore, #tpu.memory_space<semaphore_mem>>
    %dma_wait3A_91 = tpu.memref_squeeze %dma_wait3A_90 : memref<1x!tpu.dma_semaphore, #tpu.memory_space<semaphore_mem>> -> memref<!tpu.dma_semaphore, #tpu.memory_space<semaphore_mem>>
    %dma_wait3A_92 = tpu.memref_slice %arg2[%add3A_45] : memref<3276800xf32, #tpu.memory_space<hbm>> -> memref<10240xf32, #tpu.memory_space<hbm>>
    tpu.wait_dma2 semaphore(%dma_wait3A_91 : memref<!tpu.dma_semaphore, #tpu.memory_space<semaphore_mem>>) src(%dma_wait3A_92 : memref<10240xf32, #tpu.memory_space<hbm>>) dst(%arg7 : memref<10240xf32, #tpu.memory_space<vmem>>)
    %dma_wait3A_93 = arith.constant 0 : i32
    %dma_wait3A_94 = tpu.memref_slice %arg3[%add3A_45] : memref<3276800xi32, #tpu.memory_space<hbm>> -> memref<10240xi32, #tpu.memory_space<hbm>>
    %dma_wait3A_95 = tpu.memref_slice %arg13[%dma_wait3A_93] : memref<2x!tpu.dma_semaphore, #tpu.memory_space<semaphore_mem>> -> memref<1x!tpu.dma_semaphore, #tpu.memory_space<semaphore_mem>>
    %dma_wait3A_96 = tpu.memref_squeeze %dma_wait3A_95 : memref<1x!tpu.dma_semaphore, #tpu.memory_space<semaphore_mem>> -> memref<!tpu.dma_semaphore, #tpu.memory_space<semaphore_mem>>
    %dma_wait3A_97 = tpu.memref_slice %arg3[%add3A_45] : memref<3276800xi32, #tpu.memory_space<hbm>> -> memref<10240xi32, #tpu.memory_space<hbm>>
    tpu.wait_dma2 semaphore(%dma_wait3A_96 : memref<!tpu.dma_semaphore, #tpu.memory_space<semaphore_mem>>) src(%dma_wait3A_97 : memref<10240xi32, #tpu.memory_space<hbm>>) dst(%arg9 : memref<10240xi32, #tpu.memory_space<vmem>>)
    %dma_wait3A_98 = arith.constant 0 : i32
    %dma_wait3A_99 = tpu.memref_slice %arg5[%add3A_38] : memref<3276800xf32, #tpu.memory_space<hbm>> -> memref<10240xf32, #tpu.memory_space<hbm>>
    %dma_wait3A_100 = tpu.memref_slice %arg14[%dma_wait3A_98] : memref<2x!tpu.dma_semaphore, #tpu.memory_space<semaphore_mem>> -> memref<1x!tpu.dma_semaphore, #tpu.memory_space<semaphore_mem>>
    %dma_wait3A_101 = tpu.memref_squeeze %dma_wait3A_100 : memref<1x!tpu.dma_semaphore, #tpu.memory_space<semaphore_mem>> -> memref<!tpu.dma_semaphore, #tpu.memory_space<semaphore_mem>>
    %dma_wait3A_102 = tpu.memref_slice %arg5[%add3A_38] : memref<3276800xf32, #tpu.memory_space<hbm>> -> memref<10240xf32, #tpu.memory_space<hbm>>
    tpu.wait_dma2 semaphore(%dma_wait3A_101 : memref<!tpu.dma_semaphore, #tpu.memory_space<semaphore_mem>>) src(%arg11 : memref<10240xf32, #tpu.memory_space<vmem>>) dst(%dma_wait3A_102 : memref<10240xf32, #tpu.memory_space<hbm>>)
    %parallel_loop3A_103 = arith.constant 0 : i32
    %parallel_loop3A_104 = arith.constant 640 : i32
    %parallel_loop3A_105 = arith.constant 1 : i32
    scf.for %parallel_loop3A_370 = %parallel_loop3A_103 to %parallel_loop3A_104 step %parallel_loop3A_105  : i32 {
      %parallel_loop3A_371 = arith.constant 16 : i32
      %parallel_loop3A_372 = arith.muli %parallel_loop3A_370, %parallel_loop3A_371 : i32
      %parallel_loop3A_373 = arith.index_cast %parallel_loop3A_372 : i32 to index
      %parallel_loop3A_374 = tpu.vector_load %arg9[%parallel_loop3A_373] {strides = array<i32>} : memref<10240xi32, #tpu.memory_space<vmem>>, vector<16xi32>,
      %parallel_loop3A_375 = tpu.vector_load_idx %arg6[%parallel_loop3A_374] : memref<128xf32, #tpu.memory_space<vmem>>[vector<16xi32>], vector<16xf32>,
      %parallel_loop3A_376 = arith.index_cast %parallel_loop3A_372 : i32 to index
      %parallel_loop3A_377 = tpu.vector_load %arg7[%parallel_loop3A_376] {strides = array<i32>} : memref<10240xf32, #tpu.memory_space<vmem>>, vector<16xf32>,
      %parallel_loop3A_378 = math.exp %parallel_loop3A_377 : vector<16xf32>
      %parallel_loop3A_379 = arith.mulf %parallel_loop3A_375, %parallel_loop3A_378 : vector<16xf32>
      %parallel_loop3A_380 = arith.index_cast %parallel_loop3A_372 : i32 to index
      %parallel_loop3A_381 = tpu.vector_load %arg11[%parallel_loop3A_380] {strides = array<i32>} : memref<10240xf32, #tpu.memory_space<vmem>>, vector<16xf32>,
      tpu.vector_store %arg11[%parallel_loop3A_380], %parallel_loop3A_379 {strides = array<i32>} : memref<10240xf32, #tpu.memory_space<vmem>>, vector<16xf32>,
    } {sc.loop_unroll_factor = 8 : i64, sc.parallel_access}
    %add3A_106 = arith.constant 20480 : i32
    %add3A_107 = arith.addi %mul3A_2, %add3A_106 : i32
    %dma_start3A_108 = arith.constant 0 : i32
    %dma_start3A_109 = tpu.memref_slice %arg5[%add3A_107] : memref<3276800xf32, #tpu.memory_space<hbm>> -> memref<10240xf32, #tpu.memory_space<hbm>>
    %dma_start3A_110 = tpu.memref_slice %arg14[%dma_start3A_108] : memref<2x!tpu.dma_semaphore, #tpu.memory_space<semaphore_mem>> -> memref<1x!tpu.dma_semaphore, #tpu.memory_space<semaphore_mem>>
    %dma_start3A_111 = tpu.memref_squeeze %dma_start3A_110 : memref<1x!tpu.dma_semaphore, #tpu.memory_space<semaphore_mem>> -> memref<!tpu.dma_semaphore, #tpu.memory_space<semaphore_mem>>
    %dma_start3A_112 = tpu.memref_slice %arg5[%add3A_107] : memref<3276800xf32, #tpu.memory_space<hbm>> -> memref<10240xf32, #tpu.memory_space<hbm>>
    tpu.enqueue_dma source(%arg11 : memref<10240xf32, #tpu.memory_space<vmem>>) target(%dma_start3A_112 : memref<10240xf32, #tpu.memory_space<hbm>>) target_semaphore(%dma_start3A_111 : memref<!tpu.dma_semaphore, #tpu.memory_space<semaphore_mem>>)
    %add3A_113 = arith.constant 40960 : i32
    %add3A_114 = arith.addi %mul3A_2, %add3A_113 : i32
    %dma_start3A_115 = arith.constant 0 : i32
    %dma_start3A_116 = tpu.memref_slice %arg2[%add3A_114] : memref<3276800xf32, #tpu.memory_space<hbm>> -> memref<10240xf32, #tpu.memory_space<hbm>>
    %dma_start3A_117 = tpu.memref_slice %arg13[%dma_start3A_115] : memref<2x!tpu.dma_semaphore, #tpu.memory_space<semaphore_mem>> -> memref<1x!tpu.dma_semaphore, #tpu.memory_space<semaphore_mem>>
    %dma_start3A_118 = tpu.memref_squeeze %dma_start3A_117 : memref<1x!tpu.dma_semaphore, #tpu.memory_space<semaphore_mem>> -> memref<!tpu.dma_semaphore, #tpu.memory_space<semaphore_mem>>
    %dma_start3A_119 = tpu.memref_slice %arg2[%add3A_114] : memref<3276800xf32, #tpu.memory_space<hbm>> -> memref<10240xf32, #tpu.memory_space<hbm>>
    tpu.enqueue_dma source(%dma_start3A_119 : memref<10240xf32, #tpu.memory_space<hbm>>) target(%arg7 : memref<10240xf32, #tpu.memory_space<vmem>>) target_semaphore(%dma_start3A_118 : memref<!tpu.dma_semaphore, #tpu.memory_space<semaphore_mem>>)
    %dma_start3A_120 = arith.constant 0 : i32
    %dma_start3A_121 = tpu.memref_slice %arg3[%add3A_114] : memref<3276800xi32, #tpu.memory_space<hbm>> -> memref<10240xi32, #tpu.memory_space<hbm>>
    %dma_start3A_122 = tpu.memref_slice %arg13[%dma_start3A_120] : memref<2x!tpu.dma_semaphore, #tpu.memory_space<semaphore_mem>> -> memref<1x!tpu.dma_semaphore, #tpu.memory_space<semaphore_mem>>
    %dma_start3A_123 = tpu.memref_squeeze %dma_start3A_122 : memref<1x!tpu.dma_semaphore, #tpu.memory_space<semaphore_mem>> -> memref<!tpu.dma_semaphore, #tpu.memory_space<semaphore_mem>>
    %dma_start3A_124 = tpu.memref_slice %arg3[%add3A_114] : memref<3276800xi32, #tpu.memory_space<hbm>> -> memref<10240xi32, #tpu.memory_space<hbm>>
    tpu.enqueue_dma source(%dma_start3A_124 : memref<10240xi32, #tpu.memory_space<hbm>>) target(%arg9 : memref<10240xi32, #tpu.memory_space<vmem>>) target_semaphore(%dma_start3A_123 : memref<!tpu.dma_semaphore, #tpu.memory_space<semaphore_mem>>)
    %dma_wait3A_125 = arith.constant 1 : i32
    %dma_wait3A_126 = tpu.memref_slice %arg2[%add3A_77] : memref<3276800xf32, #tpu.memory_space<hbm>> -> memref<10240xf32, #tpu.memory_space<hbm>>
    %dma_wait3A_127 = tpu.memref_slice %arg13[%dma_wait3A_125] : memref<2x!tpu.dma_semaphore, #tpu.memory_space<semaphore_mem>> -> memref<1x!tpu.dma_semaphore, #tpu.memory_space<semaphore_mem>>
    %dma_wait3A_128 = tpu.memref_squeeze %dma_wait3A_127 : memref<1x!tpu.dma_semaphore, #tpu.memory_space<semaphore_mem>> -> memref<!tpu.dma_semaphore, #tpu.memory_space<semaphore_mem>>
    %dma_wait3A_129 = tpu.memref_slice %arg2[%add3A_77] : memref<3276800xf32, #tpu.memory_space<hbm>> -> memref<10240xf32, #tpu.memory_space<hbm>>
    tpu.wait_dma2 semaphore(%dma_wait3A_128 : memref<!tpu.dma_semaphore, #tpu.memory_space<semaphore_mem>>) src(%dma_wait3A_129 : memref<10240xf32, #tpu.memory_space<hbm>>) dst(%arg8 : memref<10240xf32, #tpu.memory_space<vmem>>)
    %dma_wait3A_130 = arith.constant 1 : i32
    %dma_wait3A_131 = tpu.memref_slice %arg3[%add3A_77] : memref<3276800xi32, #tpu.memory_space<hbm>> -> memref<10240xi32, #tpu.memory_space<hbm>>
    %dma_wait3A_132 = tpu.memref_slice %arg13[%dma_wait3A_130] : memref<2x!tpu.dma_semaphore, #tpu.memory_space<semaphore_mem>> -> memref<1x!tpu.dma_semaphore, #tpu.memory_space<semaphore_mem>>
    %dma_wait3A_133 = tpu.memref_squeeze %dma_wait3A_132 : memref<1x!tpu.dma_semaphore, #tpu.memory_space<semaphore_mem>> -> memref<!tpu.dma_semaphore, #tpu.memory_space<semaphore_mem>>
    %dma_wait3A_134 = tpu.memref_slice %arg3[%add3A_77] : memref<3276800xi32, #tpu.memory_space<hbm>> -> memref<10240xi32, #tpu.memory_space<hbm>>
    tpu.wait_dma2 semaphore(%dma_wait3A_133 : memref<!tpu.dma_semaphore, #tpu.memory_space<semaphore_mem>>) src(%dma_wait3A_134 : memref<10240xi32, #tpu.memory_space<hbm>>) dst(%arg10 : memref<10240xi32, #tpu.memory_space<vmem>>)
    %dma_wait3A_135 = arith.constant 1 : i32
    %dma_wait3A_136 = tpu.memref_slice %arg5[%add3A_70] : memref<3276800xf32, #tpu.memory_space<hbm>> -> memref<10240xf32, #tpu.memory_space<hbm>>
    %dma_wait3A_137 = tpu.memref_slice %arg14[%dma_wait3A_135] : memref<2x!tpu.dma_semaphore, #tpu.memory_space<semaphore_mem>> -> memref<1x!tpu.dma_semaphore, #tpu.memory_space<semaphore_mem>>
    %dma_wait3A_138 = tpu.memref_squeeze %dma_wait3A_137 : memref<1x!tpu.dma_semaphore, #tpu.memory_space<semaphore_mem>> -> memref<!tpu.dma_semaphore, #tpu.memory_space<semaphore_mem>>
    %dma_wait3A_139 = tpu.memref_slice %arg5[%add3A_70] : memref<3276800xf32, #tpu.memory_space<hbm>> -> memref<10240xf32, #tpu.memory_space<hbm>>
    tpu.wait_dma2 semaphore(%dma_wait3A_138 : memref<!tpu.dma_semaphore, #tpu.memory_space<semaphore_mem>>) src(%arg12 : memref<10240xf32, #tpu.memory_space<vmem>>) dst(%dma_wait3A_139 : memref<10240xf32, #tpu.memory_space<hbm>>)
    %parallel_loop3A_140 = arith.constant 0 : i32
    %parallel_loop3A_141 = arith.constant 640 : i32
    %parallel_loop3A_142 = arith.constant 1 : i32
    scf.for %parallel_loop3A_370 = %parallel_loop3A_140 to %parallel_loop3A_141 step %parallel_loop3A_142  : i32 {
      %parallel_loop3A_371 = arith.constant 16 : i32
      %parallel_loop3A_372 = arith.muli %parallel_loop3A_370, %parallel_loop3A_371 : i32
      %parallel_loop3A_373 = arith.index_cast %parallel_loop3A_372 : i32 to index
      %parallel_loop3A_374 = tpu.vector_load %arg10[%parallel_loop3A_373] {strides = array<i32>} : memref<10240xi32, #tpu.memory_space<vmem>>, vector<16xi32>,
      %parallel_loop3A_375 = tpu.vector_load_idx %arg6[%parallel_loop3A_374] : memref<128xf32, #tpu.memory_space<vmem>>[vector<16xi32>], vector<16xf32>,
      %parallel_loop3A_376 = arith.index_cast %parallel_loop3A_372 : i32 to index
      %parallel_loop3A_377 = tpu.vector_load %arg8[%parallel_loop3A_376] {strides = array<i32>} : memref<10240xf32, #tpu.memory_space<vmem>>, vector<16xf32>,
      %parallel_loop3A_378 = math.exp %parallel_loop3A_377 : vector<16xf32>
      %parallel_loop3A_379 = arith.mulf %parallel_loop3A_375, %parallel_loop3A_378 : vector<16xf32>
      %parallel_loop3A_380 = arith.index_cast %parallel_loop3A_372 : i32 to index
      %parallel_loop3A_381 = tpu.vector_load %arg12[%parallel_loop3A_380] {strides = array<i32>} : memref<10240xf32, #tpu.memory_space<vmem>>, vector<16xf32>,
      tpu.vector_store %arg12[%parallel_loop3A_380], %parallel_loop3A_379 {strides = array<i32>} : memref<10240xf32, #tpu.memory_space<vmem>>, vector<16xf32>,
    } {sc.loop_unroll_factor = 8 : i64, sc.parallel_access}
    %add3A_143 = arith.constant 30720 : i32
    %add3A_144 = arith.addi %mul3A_2, %add3A_143 : i32
    %dma_start3A_145 = arith.constant 1 : i32
    %dma_start3A_146 = tpu.memref_slice %arg5[%add3A_144] : memref<3276800xf32, #tpu.memory_space<hbm>> -> memref<10240xf32, #tpu.memory_space<hbm>>
    %dma_start3A_147 = tpu.memref_slice %arg14[%dma_start3A_145] : memref<2x!tpu.dma_semaphore, #tpu.memory_space<semaphore_mem>> -> memref<1x!tpu.dma_semaphore, #tpu.memory_space<semaphore_mem>>
    %dma_start3A_148 = tpu.memref_squeeze %dma_start3A_147 : memref<1x!tpu.dma_semaphore, #tpu.memory_space<semaphore_mem>> -> memref<!tpu.dma_semaphore, #tpu.memory_space<semaphore_mem>>
    %dma_start3A_149 = tpu.memref_slice %arg5[%add3A_144] : memref<3276800xf32, #tpu.memory_space<hbm>> -> memref<10240xf32, #tpu.memory_space<hbm>>
    tpu.enqueue_dma source(%arg12 : memref<10240xf32, #tpu.memory_space<vmem>>) target(%dma_start3A_149 : memref<10240xf32, #tpu.memory_space<hbm>>) target_semaphore(%dma_start3A_148 : memref<!tpu.dma_semaphore, #tpu.memory_space<semaphore_mem>>)
    %add3A_150 = arith.constant 51200 : i32
    %add3A_151 = arith.addi %mul3A_2, %add3A_150 : i32
    %dma_start3A_152 = arith.constant 1 : i32
    %dma_start3A_153 = tpu.memref_slice %arg2[%add3A_151] : memref<3276800xf32, #tpu.memory_space<hbm>> -> memref<10240xf32, #tpu.memory_space<hbm>>
    %dma_start3A_154 = tpu.memref_slice %arg13[%dma_start3A_152] : memref<2x!tpu.dma_semaphore, #tpu.memory_space<semaphore_mem>> -> memref<1x!tpu.dma_semaphore, #tpu.memory_space<semaphore_mem>>
    %dma_start3A_155 = tpu.memref_squeeze %dma_start3A_154 : memref<1x!tpu.dma_semaphore, #tpu.memory_space<semaphore_mem>> -> memref<!tpu.dma_semaphore, #tpu.memory_space<semaphore_mem>>
    %dma_start3A_156 = tpu.memref_slice %arg2[%add3A_151] : memref<3276800xf32, #tpu.memory_space<hbm>> -> memref<10240xf32, #tpu.memory_space<hbm>>
    tpu.enqueue_dma source(%dma_start3A_156 : memref<10240xf32, #tpu.memory_space<hbm>>) target(%arg8 : memref<10240xf32, #tpu.memory_space<vmem>>) target_semaphore(%dma_start3A_155 : memref<!tpu.dma_semaphore, #tpu.memory_space<semaphore_mem>>)
    %dma_start3A_157 = arith.constant 1 : i32
    %dma_start3A_158 = tpu.memref_slice %arg3[%add3A_151] : memref<3276800xi32, #tpu.memory_space<hbm>> -> memref<10240xi32, #tpu.memory_space<hbm>>
    %dma_start3A_159 = tpu.memref_slice %arg13[%dma_start3A_157] : memref<2x!tpu.dma_semaphore, #tpu.memory_space<semaphore_mem>> -> memref<1x!tpu.dma_semaphore, #tpu.memory_space<semaphore_mem>>
    %dma_start3A_160 = tpu.memref_squeeze %dma_start3A_159 : memref<1x!tpu.dma_semaphore, #tpu.memory_space<semaphore_mem>> -> memref<!tpu.dma_semaphore, #tpu.memory_space<semaphore_mem>>
    %dma_start3A_161 = tpu.memref_slice %arg3[%add3A_151] : memref<3276800xi32, #tpu.memory_space<hbm>> -> memref<10240xi32, #tpu.memory_space<hbm>>
    tpu.enqueue_dma source(%dma_start3A_161 : memref<10240xi32, #tpu.memory_space<hbm>>) target(%arg10 : memref<10240xi32, #tpu.memory_space<vmem>>) target_semaphore(%dma_start3A_160 : memref<!tpu.dma_semaphore, #tpu.memory_space<semaphore_mem>>)
    %dma_wait3A_162 = arith.constant 0 : i32
    %dma_wait3A_163 = tpu.memref_slice %arg2[%add3A_114] : memref<3276800xf32, #tpu.memory_space<hbm>> -> memref<10240xf32, #tpu.memory_space<hbm>>
    %dma_wait3A_164 = tpu.memref_slice %arg13[%dma_wait3A_162] : memref<2x!tpu.dma_semaphore, #tpu.memory_space<semaphore_mem>> -> memref<1x!tpu.dma_semaphore, #tpu.memory_space<semaphore_mem>>
    %dma_wait3A_165 = tpu.memref_squeeze %dma_wait3A_164 : memref<1x!tpu.dma_semaphore, #tpu.memory_space<semaphore_mem>> -> memref<!tpu.dma_semaphore, #tpu.memory_space<semaphore_mem>>
    %dma_wait3A_166 = tpu.memref_slice %arg2[%add3A_114] : memref<3276800xf32, #tpu.memory_space<hbm>> -> memref<10240xf32, #tpu.memory_space<hbm>>
    tpu.wait_dma2 semaphore(%dma_wait3A_165 : memref<!tpu.dma_semaphore, #tpu.memory_space<semaphore_mem>>) src(%dma_wait3A_166 : memref<10240xf32, #tpu.memory_space<hbm>>) dst(%arg7 : memref<10240xf32, #tpu.memory_space<vmem>>)
    %dma_wait3A_167 = arith.constant 0 : i32
    %dma_wait3A_168 = tpu.memref_slice %arg3[%add3A_114] : memref<3276800xi32, #tpu.memory_space<hbm>> -> memref<10240xi32, #tpu.memory_space<hbm>>
    %dma_wait3A_169 = tpu.memref_slice %arg13[%dma_wait3A_167] : memref<2x!tpu.dma_semaphore, #tpu.memory_space<semaphore_mem>> -> memref<1x!tpu.dma_semaphore, #tpu.memory_space<semaphore_mem>>
    %dma_wait3A_170 = tpu.memref_squeeze %dma_wait3A_169 : memref<1x!tpu.dma_semaphore, #tpu.memory_space<semaphore_mem>> -> memref<!tpu.dma_semaphore, #tpu.memory_space<semaphore_mem>>
    %dma_wait3A_171 = tpu.memref_slice %arg3[%add3A_114] : memref<3276800xi32, #tpu.memory_space<hbm>> -> memref<10240xi32, #tpu.memory_space<hbm>>
    tpu.wait_dma2 semaphore(%dma_wait3A_170 : memref<!tpu.dma_semaphore, #tpu.memory_space<semaphore_mem>>) src(%dma_wait3A_171 : memref<10240xi32, #tpu.memory_space<hbm>>) dst(%arg9 : memref<10240xi32, #tpu.memory_space<vmem>>)
    %dma_wait3A_172 = arith.constant 0 : i32
    %dma_wait3A_173 = tpu.memref_slice %arg5[%add3A_107] : memref<3276800xf32, #tpu.memory_space<hbm>> -> memref<10240xf32, #tpu.memory_space<hbm>>
    %dma_wait3A_174 = tpu.memref_slice %arg14[%dma_wait3A_172] : memref<2x!tpu.dma_semaphore, #tpu.memory_space<semaphore_mem>> -> memref<1x!tpu.dma_semaphore, #tpu.memory_space<semaphore_mem>>
    %dma_wait3A_175 = tpu.memref_squeeze %dma_wait3A_174 : memref<1x!tpu.dma_semaphore, #tpu.memory_space<semaphore_mem>> -> memref<!tpu.dma_semaphore, #tpu.memory_space<semaphore_mem>>
    %dma_wait3A_176 = tpu.memref_slice %arg5[%add3A_107] : memref<3276800xf32, #tpu.memory_space<hbm>> -> memref<10240xf32, #tpu.memory_space<hbm>>
    tpu.wait_dma2 semaphore(%dma_wait3A_175 : memref<!tpu.dma_semaphore, #tpu.memory_space<semaphore_mem>>) src(%arg11 : memref<10240xf32, #tpu.memory_space<vmem>>) dst(%dma_wait3A_176 : memref<10240xf32, #tpu.memory_space<hbm>>)
    %parallel_loop3A_177 = arith.constant 0 : i32
    %parallel_loop3A_178 = arith.constant 640 : i32
    %parallel_loop3A_179 = arith.constant 1 : i32
    scf.for %parallel_loop3A_370 = %parallel_loop3A_177 to %parallel_loop3A_178 step %parallel_loop3A_179  : i32 {
      %parallel_loop3A_371 = arith.constant 16 : i32
      %parallel_loop3A_372 = arith.muli %parallel_loop3A_370, %parallel_loop3A_371 : i32
      %parallel_loop3A_373 = arith.index_cast %parallel_loop3A_372 : i32 to index
      %parallel_loop3A_374 = tpu.vector_load %arg9[%parallel_loop3A_373] {strides = array<i32>} : memref<10240xi32, #tpu.memory_space<vmem>>, vector<16xi32>,
      %parallel_loop3A_375 = tpu.vector_load_idx %arg6[%parallel_loop3A_374] : memref<128xf32, #tpu.memory_space<vmem>>[vector<16xi32>], vector<16xf32>,
      %parallel_loop3A_376 = arith.index_cast %parallel_loop3A_372 : i32 to index
      %parallel_loop3A_377 = tpu.vector_load %arg7[%parallel_loop3A_376] {strides = array<i32>} : memref<10240xf32, #tpu.memory_space<vmem>>, vector<16xf32>,
      %parallel_loop3A_378 = math.exp %parallel_loop3A_377 : vector<16xf32>
      %parallel_loop3A_379 = arith.mulf %parallel_loop3A_375, %parallel_loop3A_378 : vector<16xf32>
      %parallel_loop3A_380 = arith.index_cast %parallel_loop3A_372 : i32 to index
      %parallel_loop3A_381 = tpu.vector_load %arg11[%parallel_loop3A_380] {strides = array<i32>} : memref<10240xf32, #tpu.memory_space<vmem>>, vector<16xf32>,
      tpu.vector_store %arg11[%parallel_loop3A_380], %parallel_loop3A_379 {strides = array<i32>} : memref<10240xf32, #tpu.memory_space<vmem>>, vector<16xf32>,
    } {sc.loop_unroll_factor = 8 : i64, sc.parallel_access}
    %add3A_180 = arith.constant 40960 : i32
    %add3A_181 = arith.addi %mul3A_2, %add3A_180 : i32
    %dma_start3A_182 = arith.constant 0 : i32
    %dma_start3A_183 = tpu.memref_slice %arg5[%add3A_181] : memref<3276800xf32, #tpu.memory_space<hbm>> -> memref<10240xf32, #tpu.memory_space<hbm>>
    %dma_start3A_184 = tpu.memref_slice %arg14[%dma_start3A_182] : memref<2x!tpu.dma_semaphore, #tpu.memory_space<semaphore_mem>> -> memref<1x!tpu.dma_semaphore, #tpu.memory_space<semaphore_mem>>
    %dma_start3A_185 = tpu.memref_squeeze %dma_start3A_184 : memref<1x!tpu.dma_semaphore, #tpu.memory_space<semaphore_mem>> -> memref<!tpu.dma_semaphore, #tpu.memory_space<semaphore_mem>>
    %dma_start3A_186 = tpu.memref_slice %arg5[%add3A_181] : memref<3276800xf32, #tpu.memory_space<hbm>> -> memref<10240xf32, #tpu.memory_space<hbm>>
    tpu.enqueue_dma source(%arg11 : memref<10240xf32, #tpu.memory_space<vmem>>) target(%dma_start3A_186 : memref<10240xf32, #tpu.memory_space<hbm>>) target_semaphore(%dma_start3A_185 : memref<!tpu.dma_semaphore, #tpu.memory_space<semaphore_mem>>)
    %add3A_187 = arith.constant 61440 : i32
    %add3A_188 = arith.addi %mul3A_2, %add3A_187 : i32
    %dma_start3A_189 = arith.constant 0 : i32
    %dma_start3A_190 = tpu.memref_slice %arg2[%add3A_188] : memref<3276800xf32, #tpu.memory_space<hbm>> -> memref<10240xf32, #tpu.memory_space<hbm>>
    %dma_start3A_191 = tpu.memref_slice %arg13[%dma_start3A_189] : memref<2x!tpu.dma_semaphore, #tpu.memory_space<semaphore_mem>> -> memref<1x!tpu.dma_semaphore, #tpu.memory_space<semaphore_mem>>
    %dma_start3A_192 = tpu.memref_squeeze %dma_start3A_191 : memref<1x!tpu.dma_semaphore, #tpu.memory_space<semaphore_mem>> -> memref<!tpu.dma_semaphore, #tpu.memory_space<semaphore_mem>>
    %dma_start3A_193 = tpu.memref_slice %arg2[%add3A_188] : memref<3276800xf32, #tpu.memory_space<hbm>> -> memref<10240xf32, #tpu.memory_space<hbm>>
    tpu.enqueue_dma source(%dma_start3A_193 : memref<10240xf32, #tpu.memory_space<hbm>>) target(%arg7 : memref<10240xf32, #tpu.memory_space<vmem>>) target_semaphore(%dma_start3A_192 : memref<!tpu.dma_semaphore, #tpu.memory_space<semaphore_mem>>)
    %dma_start3A_194 = arith.constant 0 : i32
    %dma_start3A_195 = tpu.memref_slice %arg3[%add3A_188] : memref<3276800xi32, #tpu.memory_space<hbm>> -> memref<10240xi32, #tpu.memory_space<hbm>>
    %dma_start3A_196 = tpu.memref_slice %arg13[%dma_start3A_194] : memref<2x!tpu.dma_semaphore, #tpu.memory_space<semaphore_mem>> -> memref<1x!tpu.dma_semaphore, #tpu.memory_space<semaphore_mem>>
    %dma_start3A_197 = tpu.memref_squeeze %dma_start3A_196 : memref<1x!tpu.dma_semaphore, #tpu.memory_space<semaphore_mem>> -> memref<!tpu.dma_semaphore, #tpu.memory_space<semaphore_mem>>
    %dma_start3A_198 = tpu.memref_slice %arg3[%add3A_188] : memref<3276800xi32, #tpu.memory_space<hbm>> -> memref<10240xi32, #tpu.memory_space<hbm>>
    tpu.enqueue_dma source(%dma_start3A_198 : memref<10240xi32, #tpu.memory_space<hbm>>) target(%arg9 : memref<10240xi32, #tpu.memory_space<vmem>>) target_semaphore(%dma_start3A_197 : memref<!tpu.dma_semaphore, #tpu.memory_space<semaphore_mem>>)
    %dma_wait3A_199 = arith.constant 1 : i32
    %dma_wait3A_200 = tpu.memref_slice %arg2[%add3A_151] : memref<3276800xf32, #tpu.memory_space<hbm>> -> memref<10240xf32, #tpu.memory_space<hbm>>
    %dma_wait3A_201 = tpu.memref_slice %arg13[%dma_wait3A_199] : memref<2x!tpu.dma_semaphore, #tpu.memory_space<semaphore_mem>> -> memref<1x!tpu.dma_semaphore, #tpu.memory_space<semaphore_mem>>
    %dma_wait3A_202 = tpu.memref_squeeze %dma_wait3A_201 : memref<1x!tpu.dma_semaphore, #tpu.memory_space<semaphore_mem>> -> memref<!tpu.dma_semaphore, #tpu.memory_space<semaphore_mem>>
    %dma_wait3A_203 = tpu.memref_slice %arg2[%add3A_151] : memref<3276800xf32, #tpu.memory_space<hbm>> -> memref<10240xf32, #tpu.memory_space<hbm>>
    tpu.wait_dma2 semaphore(%dma_wait3A_202 : memref<!tpu.dma_semaphore, #tpu.memory_space<semaphore_mem>>) src(%dma_wait3A_203 : memref<10240xf32, #tpu.memory_space<hbm>>) dst(%arg8 : memref<10240xf32, #tpu.memory_space<vmem>>)
    %dma_wait3A_204 = arith.constant 1 : i32
    %dma_wait3A_205 = tpu.memref_slice %arg3[%add3A_151] : memref<3276800xi32, #tpu.memory_space<hbm>> -> memref<10240xi32, #tpu.memory_space<hbm>>
    %dma_wait3A_206 = tpu.memref_slice %arg13[%dma_wait3A_204] : memref<2x!tpu.dma_semaphore, #tpu.memory_space<semaphore_mem>> -> memref<1x!tpu.dma_semaphore, #tpu.memory_space<semaphore_mem>>
    %dma_wait3A_207 = tpu.memref_squeeze %dma_wait3A_206 : memref<1x!tpu.dma_semaphore, #tpu.memory_space<semaphore_mem>> -> memref<!tpu.dma_semaphore, #tpu.memory_space<semaphore_mem>>
    %dma_wait3A_208 = tpu.memref_slice %arg3[%add3A_151] : memref<3276800xi32, #tpu.memory_space<hbm>> -> memref<10240xi32, #tpu.memory_space<hbm>>
    tpu.wait_dma2 semaphore(%dma_wait3A_207 : memref<!tpu.dma_semaphore, #tpu.memory_space<semaphore_mem>>) src(%dma_wait3A_208 : memref<10240xi32, #tpu.memory_space<hbm>>) dst(%arg10 : memref<10240xi32, #tpu.memory_space<vmem>>)
    %dma_wait3A_209 = arith.constant 1 : i32
    %dma_wait3A_210 = tpu.memref_slice %arg5[%add3A_144] : memref<3276800xf32, #tpu.memory_space<hbm>> -> memref<10240xf32, #tpu.memory_space<hbm>>
    %dma_wait3A_211 = tpu.memref_slice %arg14[%dma_wait3A_209] : memref<2x!tpu.dma_semaphore, #tpu.memory_space<semaphore_mem>> -> memref<1x!tpu.dma_semaphore, #tpu.memory_space<semaphore_mem>>
    %dma_wait3A_212 = tpu.memref_squeeze %dma_wait3A_211 : memref<1x!tpu.dma_semaphore, #tpu.memory_space<semaphore_mem>> -> memref<!tpu.dma_semaphore, #tpu.memory_space<semaphore_mem>>
    %dma_wait3A_213 = tpu.memref_slice %arg5[%add3A_144] : memref<3276800xf32, #tpu.memory_space<hbm>> -> memref<10240xf32, #tpu.memory_space<hbm>>
    tpu.wait_dma2 semaphore(%dma_wait3A_212 : memref<!tpu.dma_semaphore, #tpu.memory_space<semaphore_mem>>) src(%arg12 : memref<10240xf32, #tpu.memory_space<vmem>>) dst(%dma_wait3A_213 : memref<10240xf32, #tpu.memory_space<hbm>>)
    %parallel_loop3A_214 = arith.constant 0 : i32
    %parallel_loop3A_215 = arith.constant 640 : i32
    %parallel_loop3A_216 = arith.constant 1 : i32
    scf.for %parallel_loop3A_370 = %parallel_loop3A_214 to %parallel_loop3A_215 step %parallel_loop3A_216  : i32 {
      %parallel_loop3A_371 = arith.constant 16 : i32
      %parallel_loop3A_372 = arith.muli %parallel_loop3A_370, %parallel_loop3A_371 : i32
      %parallel_loop3A_373 = arith.index_cast %parallel_loop3A_372 : i32 to index
      %parallel_loop3A_374 = tpu.vector_load %arg10[%parallel_loop3A_373] {strides = array<i32>} : memref<10240xi32, #tpu.memory_space<vmem>>, vector<16xi32>,
      %parallel_loop3A_375 = tpu.vector_load_idx %arg6[%parallel_loop3A_374] : memref<128xf32, #tpu.memory_space<vmem>>[vector<16xi32>], vector<16xf32>,
      %parallel_loop3A_376 = arith.index_cast %parallel_loop3A_372 : i32 to index
      %parallel_loop3A_377 = tpu.vector_load %arg8[%parallel_loop3A_376] {strides = array<i32>} : memref<10240xf32, #tpu.memory_space<vmem>>, vector<16xf32>,
      %parallel_loop3A_378 = math.exp %parallel_loop3A_377 : vector<16xf32>
      %parallel_loop3A_379 = arith.mulf %parallel_loop3A_375, %parallel_loop3A_378 : vector<16xf32>
      %parallel_loop3A_380 = arith.index_cast %parallel_loop3A_372 : i32 to index
      %parallel_loop3A_381 = tpu.vector_load %arg12[%parallel_loop3A_380] {strides = array<i32>} : memref<10240xf32, #tpu.memory_space<vmem>>, vector<16xf32>,
      tpu.vector_store %arg12[%parallel_loop3A_380], %parallel_loop3A_379 {strides = array<i32>} : memref<10240xf32, #tpu.memory_space<vmem>>, vector<16xf32>,
    } {sc.loop_unroll_factor = 8 : i64, sc.parallel_access}
    %add3A_217 = arith.constant 51200 : i32
    %add3A_218 = arith.addi %mul3A_2, %add3A_217 : i32
    %dma_start3A_219 = arith.constant 1 : i32
    %dma_start3A_220 = tpu.memref_slice %arg5[%add3A_218] : memref<3276800xf32, #tpu.memory_space<hbm>> -> memref<10240xf32, #tpu.memory_space<hbm>>
    %dma_start3A_221 = tpu.memref_slice %arg14[%dma_start3A_219] : memref<2x!tpu.dma_semaphore, #tpu.memory_space<semaphore_mem>> -> memref<1x!tpu.dma_semaphore, #tpu.memory_space<semaphore_mem>>
    %dma_start3A_222 = tpu.memref_squeeze %dma_start3A_221 : memref<1x!tpu.dma_semaphore, #tpu.memory_space<semaphore_mem>> -> memref<!tpu.dma_semaphore, #tpu.memory_space<semaphore_mem>>
    %dma_start3A_223 = tpu.memref_slice %arg5[%add3A_218] : memref<3276800xf32, #tpu.memory_space<hbm>> -> memref<10240xf32, #tpu.memory_space<hbm>>
    tpu.enqueue_dma source(%arg12 : memref<10240xf32, #tpu.memory_space<vmem>>) target(%dma_start3A_223 : memref<10240xf32, #tpu.memory_space<hbm>>) target_semaphore(%dma_start3A_222 : memref<!tpu.dma_semaphore, #tpu.memory_space<semaphore_mem>>)
    %add3A_224 = arith.constant 71680 : i32
    %add3A_225 = arith.addi %mul3A_2, %add3A_224 : i32
    %dma_start3A_226 = arith.constant 1 : i32
    %dma_start3A_227 = tpu.memref_slice %arg2[%add3A_225] : memref<3276800xf32, #tpu.memory_space<hbm>> -> memref<10240xf32, #tpu.memory_space<hbm>>
    %dma_start3A_228 = tpu.memref_slice %arg13[%dma_start3A_226] : memref<2x!tpu.dma_semaphore, #tpu.memory_space<semaphore_mem>> -> memref<1x!tpu.dma_semaphore, #tpu.memory_space<semaphore_mem>>
    %dma_start3A_229 = tpu.memref_squeeze %dma_start3A_228 : memref<1x!tpu.dma_semaphore, #tpu.memory_space<semaphore_mem>> -> memref<!tpu.dma_semaphore, #tpu.memory_space<semaphore_mem>>
    %dma_start3A_230 = tpu.memref_slice %arg2[%add3A_225] : memref<3276800xf32, #tpu.memory_space<hbm>> -> memref<10240xf32, #tpu.memory_space<hbm>>
    tpu.enqueue_dma source(%dma_start3A_230 : memref<10240xf32, #tpu.memory_space<hbm>>) target(%arg8 : memref<10240xf32, #tpu.memory_space<vmem>>) target_semaphore(%dma_start3A_229 : memref<!tpu.dma_semaphore, #tpu.memory_space<semaphore_mem>>)
    %dma_start3A_231 = arith.constant 1 : i32
    %dma_start3A_232 = tpu.memref_slice %arg3[%add3A_225] : memref<3276800xi32, #tpu.memory_space<hbm>> -> memref<10240xi32, #tpu.memory_space<hbm>>
    %dma_start3A_233 = tpu.memref_slice %arg13[%dma_start3A_231] : memref<2x!tpu.dma_semaphore, #tpu.memory_space<semaphore_mem>> -> memref<1x!tpu.dma_semaphore, #tpu.memory_space<semaphore_mem>>
    %dma_start3A_234 = tpu.memref_squeeze %dma_start3A_233 : memref<1x!tpu.dma_semaphore, #tpu.memory_space<semaphore_mem>> -> memref<!tpu.dma_semaphore, #tpu.memory_space<semaphore_mem>>
    %dma_start3A_235 = tpu.memref_slice %arg3[%add3A_225] : memref<3276800xi32, #tpu.memory_space<hbm>> -> memref<10240xi32, #tpu.memory_space<hbm>>
    tpu.enqueue_dma source(%dma_start3A_235 : memref<10240xi32, #tpu.memory_space<hbm>>) target(%arg10 : memref<10240xi32, #tpu.memory_space<vmem>>) target_semaphore(%dma_start3A_234 : memref<!tpu.dma_semaphore, #tpu.memory_space<semaphore_mem>>)
    %dma_wait3A_236 = arith.constant 0 : i32
    %dma_wait3A_237 = tpu.memref_slice %arg2[%add3A_188] : memref<3276800xf32, #tpu.memory_space<hbm>> -> memref<10240xf32, #tpu.memory_space<hbm>>
    %dma_wait3A_238 = tpu.memref_slice %arg13[%dma_wait3A_236] : memref<2x!tpu.dma_semaphore, #tpu.memory_space<semaphore_mem>> -> memref<1x!tpu.dma_semaphore, #tpu.memory_space<semaphore_mem>>
    %dma_wait3A_239 = tpu.memref_squeeze %dma_wait3A_238 : memref<1x!tpu.dma_semaphore, #tpu.memory_space<semaphore_mem>> -> memref<!tpu.dma_semaphore, #tpu.memory_space<semaphore_mem>>
    %dma_wait3A_240 = tpu.memref_slice %arg2[%add3A_188] : memref<3276800xf32, #tpu.memory_space<hbm>> -> memref<10240xf32, #tpu.memory_space<hbm>>
    tpu.wait_dma2 semaphore(%dma_wait3A_239 : memref<!tpu.dma_semaphore, #tpu.memory_space<semaphore_mem>>) src(%dma_wait3A_240 : memref<10240xf32, #tpu.memory_space<hbm>>) dst(%arg7 : memref<10240xf32, #tpu.memory_space<vmem>>)
    %dma_wait3A_241 = arith.constant 0 : i32
    %dma_wait3A_242 = tpu.memref_slice %arg3[%add3A_188] : memref<3276800xi32, #tpu.memory_space<hbm>> -> memref<10240xi32, #tpu.memory_space<hbm>>
    %dma_wait3A_243 = tpu.memref_slice %arg13[%dma_wait3A_241] : memref<2x!tpu.dma_semaphore, #tpu.memory_space<semaphore_mem>> -> memref<1x!tpu.dma_semaphore, #tpu.memory_space<semaphore_mem>>
    %dma_wait3A_244 = tpu.memref_squeeze %dma_wait3A_243 : memref<1x!tpu.dma_semaphore, #tpu.memory_space<semaphore_mem>> -> memref<!tpu.dma_semaphore, #tpu.memory_space<semaphore_mem>>
    %dma_wait3A_245 = tpu.memref_slice %arg3[%add3A_188] : memref<3276800xi32, #tpu.memory_space<hbm>> -> memref<10240xi32, #tpu.memory_space<hbm>>
    tpu.wait_dma2 semaphore(%dma_wait3A_244 : memref<!tpu.dma_semaphore, #tpu.memory_space<semaphore_mem>>) src(%dma_wait3A_245 : memref<10240xi32, #tpu.memory_space<hbm>>) dst(%arg9 : memref<10240xi32, #tpu.memory_space<vmem>>)
    %dma_wait3A_246 = arith.constant 0 : i32
    %dma_wait3A_247 = tpu.memref_slice %arg5[%add3A_181] : memref<3276800xf32, #tpu.memory_space<hbm>> -> memref<10240xf32, #tpu.memory_space<hbm>>
    %dma_wait3A_248 = tpu.memref_slice %arg14[%dma_wait3A_246] : memref<2x!tpu.dma_semaphore, #tpu.memory_space<semaphore_mem>> -> memref<1x!tpu.dma_semaphore, #tpu.memory_space<semaphore_mem>>
    %dma_wait3A_249 = tpu.memref_squeeze %dma_wait3A_248 : memref<1x!tpu.dma_semaphore, #tpu.memory_space<semaphore_mem>> -> memref<!tpu.dma_semaphore, #tpu.memory_space<semaphore_mem>>
    %dma_wait3A_250 = tpu.memref_slice %arg5[%add3A_181] : memref<3276800xf32, #tpu.memory_space<hbm>> -> memref<10240xf32, #tpu.memory_space<hbm>>
    tpu.wait_dma2 semaphore(%dma_wait3A_249 : memref<!tpu.dma_semaphore, #tpu.memory_space<semaphore_mem>>) src(%arg11 : memref<10240xf32, #tpu.memory_space<vmem>>) dst(%dma_wait3A_250 : memref<10240xf32, #tpu.memory_space<hbm>>)
    %parallel_loop3A_251 = arith.constant 0 : i32
    %parallel_loop3A_252 = arith.constant 640 : i32
    %parallel_loop3A_253 = arith.constant 1 : i32
    scf.for %parallel_loop3A_370 = %parallel_loop3A_251 to %parallel_loop3A_252 step %parallel_loop3A_253  : i32 {
      %parallel_loop3A_371 = arith.constant 16 : i32
      %parallel_loop3A_372 = arith.muli %parallel_loop3A_370, %parallel_loop3A_371 : i32
      %parallel_loop3A_373 = arith.index_cast %parallel_loop3A_372 : i32 to index
      %parallel_loop3A_374 = tpu.vector_load %arg9[%parallel_loop3A_373] {strides = array<i32>} : memref<10240xi32, #tpu.memory_space<vmem>>, vector<16xi32>,
      %parallel_loop3A_375 = tpu.vector_load_idx %arg6[%parallel_loop3A_374] : memref<128xf32, #tpu.memory_space<vmem>>[vector<16xi32>], vector<16xf32>,
      %parallel_loop3A_376 = arith.index_cast %parallel_loop3A_372 : i32 to index
      %parallel_loop3A_377 = tpu.vector_load %arg7[%parallel_loop3A_376] {strides = array<i32>} : memref<10240xf32, #tpu.memory_space<vmem>>, vector<16xf32>,
      %parallel_loop3A_378 = math.exp %parallel_loop3A_377 : vector<16xf32>
      %parallel_loop3A_379 = arith.mulf %parallel_loop3A_375, %parallel_loop3A_378 : vector<16xf32>
      %parallel_loop3A_380 = arith.index_cast %parallel_loop3A_372 : i32 to index
      %parallel_loop3A_381 = tpu.vector_load %arg11[%parallel_loop3A_380] {strides = array<i32>} : memref<10240xf32, #tpu.memory_space<vmem>>, vector<16xf32>,
      tpu.vector_store %arg11[%parallel_loop3A_380], %parallel_loop3A_379 {strides = array<i32>} : memref<10240xf32, #tpu.memory_space<vmem>>, vector<16xf32>,
    } {sc.loop_unroll_factor = 8 : i64, sc.parallel_access}
    %add3A_254 = arith.constant 61440 : i32
    %add3A_255 = arith.addi %mul3A_2, %add3A_254 : i32
    %dma_start3A_256 = arith.constant 0 : i32
    %dma_start3A_257 = tpu.memref_slice %arg5[%add3A_255] : memref<3276800xf32, #tpu.memory_space<hbm>> -> memref<10240xf32, #tpu.memory_space<hbm>>
    %dma_start3A_258 = tpu.memref_slice %arg14[%dma_start3A_256] : memref<2x!tpu.dma_semaphore, #tpu.memory_space<semaphore_mem>> -> memref<1x!tpu.dma_semaphore, #tpu.memory_space<semaphore_mem>>
    %dma_start3A_259 = tpu.memref_squeeze %dma_start3A_258 : memref<1x!tpu.dma_semaphore, #tpu.memory_space<semaphore_mem>> -> memref<!tpu.dma_semaphore, #tpu.memory_space<semaphore_mem>>
    %dma_start3A_260 = tpu.memref_slice %arg5[%add3A_255] : memref<3276800xf32, #tpu.memory_space<hbm>> -> memref<10240xf32, #tpu.memory_space<hbm>>
    tpu.enqueue_dma source(%arg11 : memref<10240xf32, #tpu.memory_space<vmem>>) target(%dma_start3A_260 : memref<10240xf32, #tpu.memory_space<hbm>>) target_semaphore(%dma_start3A_259 : memref<!tpu.dma_semaphore, #tpu.memory_space<semaphore_mem>>)
    %add3A_261 = arith.constant 81920 : i32
    %add3A_262 = arith.addi %mul3A_2, %add3A_261 : i32
    %dma_start3A_263 = arith.constant 0 : i32
    %dma_start3A_264 = tpu.memref_slice %arg2[%add3A_262] : memref<3276800xf32, #tpu.memory_space<hbm>> -> memref<10240xf32, #tpu.memory_space<hbm>>
    %dma_start3A_265 = tpu.memref_slice %arg13[%dma_start3A_263] : memref<2x!tpu.dma_semaphore, #tpu.memory_space<semaphore_mem>> -> memref<1x!tpu.dma_semaphore, #tpu.memory_space<semaphore_mem>>
    %dma_start3A_266 = tpu.memref_squeeze %dma_start3A_265 : memref<1x!tpu.dma_semaphore, #tpu.memory_space<semaphore_mem>> -> memref<!tpu.dma_semaphore, #tpu.memory_space<semaphore_mem>>
    %dma_start3A_267 = tpu.memref_slice %arg2[%add3A_262] : memref<3276800xf32, #tpu.memory_space<hbm>> -> memref<10240xf32, #tpu.memory_space<hbm>>
    tpu.enqueue_dma source(%dma_start3A_267 : memref<10240xf32, #tpu.memory_space<hbm>>) target(%arg7 : memref<10240xf32, #tpu.memory_space<vmem>>) target_semaphore(%dma_start3A_266 : memref<!tpu.dma_semaphore, #tpu.memory_space<semaphore_mem>>)
    %dma_start3A_268 = arith.constant 0 : i32
    %dma_start3A_269 = tpu.memref_slice %arg3[%add3A_262] : memref<3276800xi32, #tpu.memory_space<hbm>> -> memref<10240xi32, #tpu.memory_space<hbm>>
    %dma_start3A_270 = tpu.memref_slice %arg13[%dma_start3A_268] : memref<2x!tpu.dma_semaphore, #tpu.memory_space<semaphore_mem>> -> memref<1x!tpu.dma_semaphore, #tpu.memory_space<semaphore_mem>>
    %dma_start3A_271 = tpu.memref_squeeze %dma_start3A_270 : memref<1x!tpu.dma_semaphore, #tpu.memory_space<semaphore_mem>> -> memref<!tpu.dma_semaphore, #tpu.memory_space<semaphore_mem>>
    %dma_start3A_272 = tpu.memref_slice %arg3[%add3A_262] : memref<3276800xi32, #tpu.memory_space<hbm>> -> memref<10240xi32, #tpu.memory_space<hbm>>
    tpu.enqueue_dma source(%dma_start3A_272 : memref<10240xi32, #tpu.memory_space<hbm>>) target(%arg9 : memref<10240xi32, #tpu.memory_space<vmem>>) target_semaphore(%dma_start3A_271 : memref<!tpu.dma_semaphore, #tpu.memory_space<semaphore_mem>>)
    %dma_wait3A_273 = arith.constant 1 : i32
    %dma_wait3A_274 = tpu.memref_slice %arg2[%add3A_225] : memref<3276800xf32, #tpu.memory_space<hbm>> -> memref<10240xf32, #tpu.memory_space<hbm>>
    %dma_wait3A_275 = tpu.memref_slice %arg13[%dma_wait3A_273] : memref<2x!tpu.dma_semaphore, #tpu.memory_space<semaphore_mem>> -> memref<1x!tpu.dma_semaphore, #tpu.memory_space<semaphore_mem>>
    %dma_wait3A_276 = tpu.memref_squeeze %dma_wait3A_275 : memref<1x!tpu.dma_semaphore, #tpu.memory_space<semaphore_mem>> -> memref<!tpu.dma_semaphore, #tpu.memory_space<semaphore_mem>>
    %dma_wait3A_277 = tpu.memref_slice %arg2[%add3A_225] : memref<3276800xf32, #tpu.memory_space<hbm>> -> memref<10240xf32, #tpu.memory_space<hbm>>
    tpu.wait_dma2 semaphore(%dma_wait3A_276 : memref<!tpu.dma_semaphore, #tpu.memory_space<semaphore_mem>>) src(%dma_wait3A_277 : memref<10240xf32, #tpu.memory_space<hbm>>) dst(%arg8 : memref<10240xf32, #tpu.memory_space<vmem>>)
    %dma_wait3A_278 = arith.constant 1 : i32
    %dma_wait3A_279 = tpu.memref_slice %arg3[%add3A_225] : memref<3276800xi32, #tpu.memory_space<hbm>> -> memref<10240xi32, #tpu.memory_space<hbm>>
    %dma_wait3A_280 = tpu.memref_slice %arg13[%dma_wait3A_278] : memref<2x!tpu.dma_semaphore, #tpu.memory_space<semaphore_mem>> -> memref<1x!tpu.dma_semaphore, #tpu.memory_space<semaphore_mem>>
    %dma_wait3A_281 = tpu.memref_squeeze %dma_wait3A_280 : memref<1x!tpu.dma_semaphore, #tpu.memory_space<semaphore_mem>> -> memref<!tpu.dma_semaphore, #tpu.memory_space<semaphore_mem>>
    %dma_wait3A_282 = tpu.memref_slice %arg3[%add3A_225] : memref<3276800xi32, #tpu.memory_space<hbm>> -> memref<10240xi32, #tpu.memory_space<hbm>>
    tpu.wait_dma2 semaphore(%dma_wait3A_281 : memref<!tpu.dma_semaphore, #tpu.memory_space<semaphore_mem>>) src(%dma_wait3A_282 : memref<10240xi32, #tpu.memory_space<hbm>>) dst(%arg10 : memref<10240xi32, #tpu.memory_space<vmem>>)
    %dma_wait3A_283 = arith.constant 1 : i32
    %dma_wait3A_284 = tpu.memref_slice %arg5[%add3A_218] : memref<3276800xf32, #tpu.memory_space<hbm>> -> memref<10240xf32, #tpu.memory_space<hbm>>
    %dma_wait3A_285 = tpu.memref_slice %arg14[%dma_wait3A_283] : memref<2x!tpu.dma_semaphore, #tpu.memory_space<semaphore_mem>> -> memref<1x!tpu.dma_semaphore, #tpu.memory_space<semaphore_mem>>
    %dma_wait3A_286 = tpu.memref_squeeze %dma_wait3A_285 : memref<1x!tpu.dma_semaphore, #tpu.memory_space<semaphore_mem>> -> memref<!tpu.dma_semaphore, #tpu.memory_space<semaphore_mem>>
    %dma_wait3A_287 = tpu.memref_slice %arg5[%add3A_218] : memref<3276800xf32, #tpu.memory_space<hbm>> -> memref<10240xf32, #tpu.memory_space<hbm>>
    tpu.wait_dma2 semaphore(%dma_wait3A_286 : memref<!tpu.dma_semaphore, #tpu.memory_space<semaphore_mem>>) src(%arg12 : memref<10240xf32, #tpu.memory_space<vmem>>) dst(%dma_wait3A_287 : memref<10240xf32, #tpu.memory_space<hbm>>)
    %parallel_loop3A_288 = arith.constant 0 : i32
    %parallel_loop3A_289 = arith.constant 640 : i32
    %parallel_loop3A_290 = arith.constant 1 : i32
    scf.for %parallel_loop3A_370 = %parallel_loop3A_288 to %parallel_loop3A_289 step %parallel_loop3A_290  : i32 {
      %parallel_loop3A_371 = arith.constant 16 : i32
      %parallel_loop3A_372 = arith.muli %parallel_loop3A_370, %parallel_loop3A_371 : i32
      %parallel_loop3A_373 = arith.index_cast %parallel_loop3A_372 : i32 to index
      %parallel_loop3A_374 = tpu.vector_load %arg10[%parallel_loop3A_373] {strides = array<i32>} : memref<10240xi32, #tpu.memory_space<vmem>>, vector<16xi32>,
      %parallel_loop3A_375 = tpu.vector_load_idx %arg6[%parallel_loop3A_374] : memref<128xf32, #tpu.memory_space<vmem>>[vector<16xi32>], vector<16xf32>,
      %parallel_loop3A_376 = arith.index_cast %parallel_loop3A_372 : i32 to index
      %parallel_loop3A_377 = tpu.vector_load %arg8[%parallel_loop3A_376] {strides = array<i32>} : memref<10240xf32, #tpu.memory_space<vmem>>, vector<16xf32>,
      %parallel_loop3A_378 = math.exp %parallel_loop3A_377 : vector<16xf32>
      %parallel_loop3A_379 = arith.mulf %parallel_loop3A_375, %parallel_loop3A_378 : vector<16xf32>
      %parallel_loop3A_380 = arith.index_cast %parallel_loop3A_372 : i32 to index
      %parallel_loop3A_381 = tpu.vector_load %arg12[%parallel_loop3A_380] {strides = array<i32>} : memref<10240xf32, #tpu.memory_space<vmem>>, vector<16xf32>,
      tpu.vector_store %arg12[%parallel_loop3A_380], %parallel_loop3A_379 {strides = array<i32>} : memref<10240xf32, #tpu.memory_space<vmem>>, vector<16xf32>,
    } {sc.loop_unroll_factor = 8 : i64, sc.parallel_access}
    %add3A_291 = arith.constant 71680 : i32
    %add3A_292 = arith.addi %mul3A_2, %add3A_291 : i32
    %dma_start3A_293 = arith.constant 1 : i32
    %dma_start3A_294 = tpu.memref_slice %arg5[%add3A_292] : memref<3276800xf32, #tpu.memory_space<hbm>> -> memref<10240xf32, #tpu.memory_space<hbm>>
    %dma_start3A_295 = tpu.memref_slice %arg14[%dma_start3A_293] : memref<2x!tpu.dma_semaphore, #tpu.memory_space<semaphore_mem>> -> memref<1x!tpu.dma_semaphore, #tpu.memory_space<semaphore_mem>>
    %dma_start3A_296 = tpu.memref_squeeze %dma_start3A_295 : memref<1x!tpu.dma_semaphore, #tpu.memory_space<semaphore_mem>> -> memref<!tpu.dma_semaphore, #tpu.memory_space<semaphore_mem>>
    %dma_start3A_297 = tpu.memref_slice %arg5[%add3A_292] : memref<3276800xf32, #tpu.memory_space<hbm>> -> memref<10240xf32, #tpu.memory_space<hbm>>
    tpu.enqueue_dma source(%arg12 : memref<10240xf32, #tpu.memory_space<vmem>>) target(%dma_start3A_297 : memref<10240xf32, #tpu.memory_space<hbm>>) target_semaphore(%dma_start3A_296 : memref<!tpu.dma_semaphore, #tpu.memory_space<semaphore_mem>>)
    %add3A_298 = arith.constant 92160 : i32
    %add3A_299 = arith.addi %mul3A_2, %add3A_298 : i32
    %dma_start3A_300 = arith.constant 1 : i32
    %dma_start3A_301 = tpu.memref_slice %arg2[%add3A_299] : memref<3276800xf32, #tpu.memory_space<hbm>> -> memref<10240xf32, #tpu.memory_space<hbm>>
    %dma_start3A_302 = tpu.memref_slice %arg13[%dma_start3A_300] : memref<2x!tpu.dma_semaphore, #tpu.memory_space<semaphore_mem>> -> memref<1x!tpu.dma_semaphore, #tpu.memory_space<semaphore_mem>>
    %dma_start3A_303 = tpu.memref_squeeze %dma_start3A_302 : memref<1x!tpu.dma_semaphore, #tpu.memory_space<semaphore_mem>> -> memref<!tpu.dma_semaphore, #tpu.memory_space<semaphore_mem>>
    %dma_start3A_304 = tpu.memref_slice %arg2[%add3A_299] : memref<3276800xf32, #tpu.memory_space<hbm>> -> memref<10240xf32, #tpu.memory_space<hbm>>
    tpu.enqueue_dma source(%dma_start3A_304 : memref<10240xf32, #tpu.memory_space<hbm>>) target(%arg8 : memref<10240xf32, #tpu.memory_space<vmem>>) target_semaphore(%dma_start3A_303 : memref<!tpu.dma_semaphore, #tpu.memory_space<semaphore_mem>>)
    %dma_start3A_305 = arith.constant 1 : i32
    %dma_start3A_306 = tpu.memref_slice %arg3[%add3A_299] : memref<3276800xi32, #tpu.memory_space<hbm>> -> memref<10240xi32, #tpu.memory_space<hbm>>
    %dma_start3A_307 = tpu.memref_slice %arg13[%dma_start3A_305] : memref<2x!tpu.dma_semaphore, #tpu.memory_space<semaphore_mem>> -> memref<1x!tpu.dma_semaphore, #tpu.memory_space<semaphore_mem>>
    %dma_start3A_308 = tpu.memref_squeeze %dma_start3A_307 : memref<1x!tpu.dma_semaphore, #tpu.memory_space<semaphore_mem>> -> memref<!tpu.dma_semaphore, #tpu.memory_space<semaphore_mem>>
    %dma_start3A_309 = tpu.memref_slice %arg3[%add3A_299] : memref<3276800xi32, #tpu.memory_space<hbm>> -> memref<10240xi32, #tpu.memory_space<hbm>>
    tpu.enqueue_dma source(%dma_start3A_309 : memref<10240xi32, #tpu.memory_space<hbm>>) target(%arg10 : memref<10240xi32, #tpu.memory_space<vmem>>) target_semaphore(%dma_start3A_308 : memref<!tpu.dma_semaphore, #tpu.memory_space<semaphore_mem>>)
    %dma_wait3A_310 = arith.constant 0 : i32
    %dma_wait3A_311 = tpu.memref_slice %arg2[%add3A_262] : memref<3276800xf32, #tpu.memory_space<hbm>> -> memref<10240xf32, #tpu.memory_space<hbm>>
    %dma_wait3A_312 = tpu.memref_slice %arg13[%dma_wait3A_310] : memref<2x!tpu.dma_semaphore, #tpu.memory_space<semaphore_mem>> -> memref<1x!tpu.dma_semaphore, #tpu.memory_space<semaphore_mem>>
    %dma_wait3A_313 = tpu.memref_squeeze %dma_wait3A_312 : memref<1x!tpu.dma_semaphore, #tpu.memory_space<semaphore_mem>> -> memref<!tpu.dma_semaphore, #tpu.memory_space<semaphore_mem>>
    %dma_wait3A_314 = tpu.memref_slice %arg2[%add3A_262] : memref<3276800xf32, #tpu.memory_space<hbm>> -> memref<10240xf32, #tpu.memory_space<hbm>>
    tpu.wait_dma2 semaphore(%dma_wait3A_313 : memref<!tpu.dma_semaphore, #tpu.memory_space<semaphore_mem>>) src(%dma_wait3A_314 : memref<10240xf32, #tpu.memory_space<hbm>>) dst(%arg7 : memref<10240xf32, #tpu.memory_space<vmem>>)
    %dma_wait3A_315 = arith.constant 0 : i32
    %dma_wait3A_316 = tpu.memref_slice %arg3[%add3A_262] : memref<3276800xi32, #tpu.memory_space<hbm>> -> memref<10240xi32, #tpu.memory_space<hbm>>
    %dma_wait3A_317 = tpu.memref_slice %arg13[%dma_wait3A_315] : memref<2x!tpu.dma_semaphore, #tpu.memory_space<semaphore_mem>> -> memref<1x!tpu.dma_semaphore, #tpu.memory_space<semaphore_mem>>
    %dma_wait3A_318 = tpu.memref_squeeze %dma_wait3A_317 : memref<1x!tpu.dma_semaphore, #tpu.memory_space<semaphore_mem>> -> memref<!tpu.dma_semaphore, #tpu.memory_space<semaphore_mem>>
    %dma_wait3A_319 = tpu.memref_slice %arg3[%add3A_262] : memref<3276800xi32, #tpu.memory_space<hbm>> -> memref<10240xi32, #tpu.memory_space<hbm>>
    tpu.wait_dma2 semaphore(%dma_wait3A_318 : memref<!tpu.dma_semaphore, #tpu.memory_space<semaphore_mem>>) src(%dma_wait3A_319 : memref<10240xi32, #tpu.memory_space<hbm>>) dst(%arg9 : memref<10240xi32, #tpu.memory_space<vmem>>)
    %dma_wait3A_320 = arith.constant 0 : i32
    %dma_wait3A_321 = tpu.memref_slice %arg5[%add3A_255] : memref<3276800xf32, #tpu.memory_space<hbm>> -> memref<10240xf32, #tpu.memory_space<hbm>>
    %dma_wait3A_322 = tpu.memref_slice %arg14[%dma_wait3A_320] : memref<2x!tpu.dma_semaphore, #tpu.memory_space<semaphore_mem>> -> memref<1x!tpu.dma_semaphore, #tpu.memory_space<semaphore_mem>>
    %dma_wait3A_323 = tpu.memref_squeeze %dma_wait3A_322 : memref<1x!tpu.dma_semaphore, #tpu.memory_space<semaphore_mem>> -> memref<!tpu.dma_semaphore, #tpu.memory_space<semaphore_mem>>
    %dma_wait3A_324 = tpu.memref_slice %arg5[%add3A_255] : memref<3276800xf32, #tpu.memory_space<hbm>> -> memref<10240xf32, #tpu.memory_space<hbm>>
    tpu.wait_dma2 semaphore(%dma_wait3A_323 : memref<!tpu.dma_semaphore, #tpu.memory_space<semaphore_mem>>) src(%arg11 : memref<10240xf32, #tpu.memory_space<vmem>>) dst(%dma_wait3A_324 : memref<10240xf32, #tpu.memory_space<hbm>>)
    %parallel_loop3A_325 = arith.constant 0 : i32
    %parallel_loop3A_326 = arith.constant 640 : i32
    %parallel_loop3A_327 = arith.constant 1 : i32
    scf.for %parallel_loop3A_370 = %parallel_loop3A_325 to %parallel_loop3A_326 step %parallel_loop3A_327  : i32 {
      %parallel_loop3A_371 = arith.constant 16 : i32
      %parallel_loop3A_372 = arith.muli %parallel_loop3A_370, %parallel_loop3A_371 : i32
      %parallel_loop3A_373 = arith.index_cast %parallel_loop3A_372 : i32 to index
      %parallel_loop3A_374 = tpu.vector_load %arg9[%parallel_loop3A_373] {strides = array<i32>} : memref<10240xi32, #tpu.memory_space<vmem>>, vector<16xi32>,
      %parallel_loop3A_375 = tpu.vector_load_idx %arg6[%parallel_loop3A_374] : memref<128xf32, #tpu.memory_space<vmem>>[vector<16xi32>], vector<16xf32>,
      %parallel_loop3A_376 = arith.index_cast %parallel_loop3A_372 : i32 to index
      %parallel_loop3A_377 = tpu.vector_load %arg7[%parallel_loop3A_376] {strides = array<i32>} : memref<10240xf32, #tpu.memory_space<vmem>>, vector<16xf32>,
      %parallel_loop3A_378 = math.exp %parallel_loop3A_377 : vector<16xf32>
      %parallel_loop3A_379 = arith.mulf %parallel_loop3A_375, %parallel_loop3A_378 : vector<16xf32>
      %parallel_loop3A_380 = arith.index_cast %parallel_loop3A_372 : i32 to index
      %parallel_loop3A_381 = tpu.vector_load %arg11[%parallel_loop3A_380] {strides = array<i32>} : memref<10240xf32, #tpu.memory_space<vmem>>, vector<16xf32>,
      tpu.vector_store %arg11[%parallel_loop3A_380], %parallel_loop3A_379 {strides = array<i32>} : memref<10240xf32, #tpu.memory_space<vmem>>, vector<16xf32>,
    } {sc.loop_unroll_factor = 8 : i64, sc.parallel_access}
    %add3A_328 = arith.constant 81920 : i32
    %add3A_329 = arith.addi %mul3A_2, %add3A_328 : i32
    %dma_start3A_330 = arith.constant 0 : i32
    %dma_start3A_331 = tpu.memref_slice %arg5[%add3A_329] : memref<3276800xf32, #tpu.memory_space<hbm>> -> memref<10240xf32, #tpu.memory_space<hbm>>
    %dma_start3A_332 = tpu.memref_slice %arg14[%dma_start3A_330] : memref<2x!tpu.dma_semaphore, #tpu.memory_space<semaphore_mem>> -> memref<1x!tpu.dma_semaphore, #tpu.memory_space<semaphore_mem>>
    %dma_start3A_333 = tpu.memref_squeeze %dma_start3A_332 : memref<1x!tpu.dma_semaphore, #tpu.memory_space<semaphore_mem>> -> memref<!tpu.dma_semaphore, #tpu.memory_space<semaphore_mem>>
    %dma_start3A_334 = tpu.memref_slice %arg5[%add3A_329] : memref<3276800xf32, #tpu.memory_space<hbm>> -> memref<10240xf32, #tpu.memory_space<hbm>>
    tpu.enqueue_dma source(%arg11 : memref<10240xf32, #tpu.memory_space<vmem>>) target(%dma_start3A_334 : memref<10240xf32, #tpu.memory_space<hbm>>) target_semaphore(%dma_start3A_333 : memref<!tpu.dma_semaphore, #tpu.memory_space<semaphore_mem>>)
    %dma_wait3A_335 = arith.constant 1 : i32
    %dma_wait3A_336 = tpu.memref_slice %arg2[%add3A_299] : memref<3276800xf32, #tpu.memory_space<hbm>> -> memref<10240xf32, #tpu.memory_space<hbm>>
    %dma_wait3A_337 = tpu.memref_slice %arg13[%dma_wait3A_335] : memref<2x!tpu.dma_semaphore, #tpu.memory_space<semaphore_mem>> -> memref<1x!tpu.dma_semaphore, #tpu.memory_space<semaphore_mem>>
    %dma_wait3A_338 = tpu.memref_squeeze %dma_wait3A_337 : memref<1x!tpu.dma_semaphore, #tpu.memory_space<semaphore_mem>> -> memref<!tpu.dma_semaphore, #tpu.memory_space<semaphore_mem>>
    %dma_wait3A_339 = tpu.memref_slice %arg2[%add3A_299] : memref<3276800xf32, #tpu.memory_space<hbm>> -> memref<10240xf32, #tpu.memory_space<hbm>>
    tpu.wait_dma2 semaphore(%dma_wait3A_338 : memref<!tpu.dma_semaphore, #tpu.memory_space<semaphore_mem>>) src(%dma_wait3A_339 : memref<10240xf32, #tpu.memory_space<hbm>>) dst(%arg8 : memref<10240xf32, #tpu.memory_space<vmem>>)
    %dma_wait3A_340 = arith.constant 1 : i32
    %dma_wait3A_341 = tpu.memref_slice %arg3[%add3A_299] : memref<3276800xi32, #tpu.memory_space<hbm>> -> memref<10240xi32, #tpu.memory_space<hbm>>
    %dma_wait3A_342 = tpu.memref_slice %arg13[%dma_wait3A_340] : memref<2x!tpu.dma_semaphore, #tpu.memory_space<semaphore_mem>> -> memref<1x!tpu.dma_semaphore, #tpu.memory_space<semaphore_mem>>
    %dma_wait3A_343 = tpu.memref_squeeze %dma_wait3A_342 : memref<1x!tpu.dma_semaphore, #tpu.memory_space<semaphore_mem>> -> memref<!tpu.dma_semaphore, #tpu.memory_space<semaphore_mem>>
    %dma_wait3A_344 = tpu.memref_slice %arg3[%add3A_299] : memref<3276800xi32, #tpu.memory_space<hbm>> -> memref<10240xi32, #tpu.memory_space<hbm>>
    tpu.wait_dma2 semaphore(%dma_wait3A_343 : memref<!tpu.dma_semaphore, #tpu.memory_space<semaphore_mem>>) src(%dma_wait3A_344 : memref<10240xi32, #tpu.memory_space<hbm>>) dst(%arg10 : memref<10240xi32, #tpu.memory_space<vmem>>)
    %dma_wait3A_345 = arith.constant 1 : i32
    %dma_wait3A_346 = tpu.memref_slice %arg5[%add3A_292] : memref<3276800xf32, #tpu.memory_space<hbm>> -> memref<10240xf32, #tpu.memory_space<hbm>>
    %dma_wait3A_347 = tpu.memref_slice %arg14[%dma_wait3A_345] : memref<2x!tpu.dma_semaphore, #tpu.memory_space<semaphore_mem>> -> memref<1x!tpu.dma_semaphore, #tpu.memory_space<semaphore_mem>>
    %dma_wait3A_348 = tpu.memref_squeeze %dma_wait3A_347 : memref<1x!tpu.dma_semaphore, #tpu.memory_space<semaphore_mem>> -> memref<!tpu.dma_semaphore, #tpu.memory_space<semaphore_mem>>
    %dma_wait3A_349 = tpu.memref_slice %arg5[%add3A_292] : memref<3276800xf32, #tpu.memory_space<hbm>> -> memref<10240xf32, #tpu.memory_space<hbm>>
    tpu.wait_dma2 semaphore(%dma_wait3A_348 : memref<!tpu.dma_semaphore, #tpu.memory_space<semaphore_mem>>) src(%arg12 : memref<10240xf32, #tpu.memory_space<vmem>>) dst(%dma_wait3A_349 : memref<10240xf32, #tpu.memory_space<hbm>>)
    %parallel_loop3A_350 = arith.constant 0 : i32
    %parallel_loop3A_351 = arith.constant 640 : i32
    %parallel_loop3A_352 = arith.constant 1 : i32
    scf.for %parallel_loop3A_370 = %parallel_loop3A_350 to %parallel_loop3A_351 step %parallel_loop3A_352  : i32 {
      %parallel_loop3A_371 = arith.constant 16 : i32
      %parallel_loop3A_372 = arith.muli %parallel_loop3A_370, %parallel_loop3A_371 : i32
      %parallel_loop3A_373 = arith.index_cast %parallel_loop3A_372 : i32 to index
      %parallel_loop3A_374 = tpu.vector_load %arg10[%parallel_loop3A_373] {strides = array<i32>} : memref<10240xi32, #tpu.memory_space<vmem>>, vector<16xi32>,
      %parallel_loop3A_375 = tpu.vector_load_idx %arg6[%parallel_loop3A_374] : memref<128xf32, #tpu.memory_space<vmem>>[vector<16xi32>], vector<16xf32>,
      %parallel_loop3A_376 = arith.index_cast %parallel_loop3A_372 : i32 to index
      %parallel_loop3A_377 = tpu.vector_load %arg8[%parallel_loop3A_376] {strides = array<i32>} : memref<10240xf32, #tpu.memory_space<vmem>>, vector<16xf32>,
      %parallel_loop3A_378 = math.exp %parallel_loop3A_377 : vector<16xf32>
      %parallel_loop3A_379 = arith.mulf %parallel_loop3A_375, %parallel_loop3A_378 : vector<16xf32>
      %parallel_loop3A_380 = arith.index_cast %parallel_loop3A_372 : i32 to index
      %parallel_loop3A_381 = tpu.vector_load %arg12[%parallel_loop3A_380] {strides = array<i32>} : memref<10240xf32, #tpu.memory_space<vmem>>, vector<16xf32>,
      tpu.vector_store %arg12[%parallel_loop3A_380], %parallel_loop3A_379 {strides = array<i32>} : memref<10240xf32, #tpu.memory_space<vmem>>, vector<16xf32>,
    } {sc.loop_unroll_factor = 8 : i64, sc.parallel_access}
    %add3A_353 = arith.constant 92160 : i32
    %add3A_354 = arith.addi %mul3A_2, %add3A_353 : i32
    %dma_start3A_355 = arith.constant 1 : i32
    %dma_start3A_356 = tpu.memref_slice %arg5[%add3A_354] : memref<3276800xf32, #tpu.memory_space<hbm>> -> memref<10240xf32, #tpu.memory_space<hbm>>
    %dma_start3A_357 = tpu.memref_slice %arg14[%dma_start3A_355] : memref<2x!tpu.dma_semaphore, #tpu.memory_space<semaphore_mem>> -> memref<1x!tpu.dma_semaphore, #tpu.memory_space<semaphore_mem>>
    %dma_start3A_358 = tpu.memref_squeeze %dma_start3A_357 : memref<1x!tpu.dma_semaphore, #tpu.memory_space<semaphore_mem>> -> memref<!tpu.dma_semaphore, #tpu.memory_space<semaphore_mem>>
    %dma_start3A_359 = tpu.memref_slice %arg5[%add3A_354] : memref<3276800xf32, #tpu.memory_space<hbm>> -> memref<10240xf32, #tpu.memory_space<hbm>>
    tpu.enqueue_dma source(%arg12 : memref<10240xf32, #tpu.memory_space<vmem>>) target(%dma_start3A_359 : memref<10240xf32, #tpu.memory_space<hbm>>) target_semaphore(%dma_start3A_358 : memref<!tpu.dma_semaphore, #tpu.memory_space<semaphore_mem>>)
    %dma_wait3A_360 = arith.constant 1 : i32
    %dma_wait3A_361 = tpu.memref_slice %arg5[%add3A_354] : memref<3276800xf32, #tpu.memory_space<hbm>> -> memref<10240xf32, #tpu.memory_space<hbm>>
    %dma_wait3A_362 = tpu.memref_slice %arg14[%dma_wait3A_360] : memref<2x!tpu.dma_semaphore, #tpu.memory_space<semaphore_mem>> -> memref<1x!tpu.dma_semaphore, #tpu.memory_space<semaphore_mem>>
    %dma_wait3A_363 = tpu.memref_squeeze %dma_wait3A_362 : memref<1x!tpu.dma_semaphore, #tpu.memory_space<semaphore_mem>> -> memref<!tpu.dma_semaphore, #tpu.memory_space<semaphore_mem>>
    %dma_wait3A_364 = tpu.memref_slice %arg5[%add3A_354] : memref<3276800xf32, #tpu.memory_space<hbm>> -> memref<10240xf32, #tpu.memory_space<hbm>>
    tpu.wait_dma2 semaphore(%dma_wait3A_363 : memref<!tpu.dma_semaphore, #tpu.memory_space<semaphore_mem>>) src(%arg12 : memref<10240xf32, #tpu.memory_space<vmem>>) dst(%dma_wait3A_364 : memref<10240xf32, #tpu.memory_space<hbm>>)
    %dma_wait3A_365 = arith.constant 0 : i32
    %dma_wait3A_366 = tpu.memref_slice %arg5[%add3A_329] : memref<3276800xf32, #tpu.memory_space<hbm>> -> memref<10240xf32, #tpu.memory_space<hbm>>
    %dma_wait3A_367 = tpu.memref_slice %arg14[%dma_wait3A_365] : memref<2x!tpu.dma_semaphore, #tpu.memory_space<semaphore_mem>> -> memref<1x!tpu.dma_semaphore, #tpu.memory_space<semaphore_mem>>
    %dma_wait3A_368 = tpu.memref_squeeze %dma_wait3A_367 : memref<1x!tpu.dma_semaphore, #tpu.memory_space<semaphore_mem>> -> memref<!tpu.dma_semaphore, #tpu.memory_space<semaphore_mem>>
    %dma_wait3A_369 = tpu.memref_slice %arg5[%add3A_329] : memref<3276800xf32, #tpu.memory_space<hbm>> -> memref<10240xf32, #tpu.memory_space<hbm>>
    tpu.wait_dma2 semaphore(%dma_wait3A_368 : memref<!tpu.dma_semaphore, #tpu.memory_space<semaphore_mem>>) src(%arg11 : memref<10240xf32, #tpu.memory_space<vmem>>) dst(%dma_wait3A_369 : memref<10240xf32, #tpu.memory_space<hbm>>)
    return
  }
}

</mosaic_0001>

<sc_bundles>
// kernel: kernel.3.cloned.1.call-start
scs
__scs_entry_jumppad:
0x0: {  	(pc) =	sbr.rel $0x88, $3  }
0x1: {  	(tag) =	ssettag $0x0;
	lr =	simm.s32 $0x1  }
0x2: {  	[smem:$0x3F9E] =	sst lr;
	_ =	strace $0xD0000000  }
0x3: {  	_ = 	snop  }
0x4: {  	_ = 	snop  }
0x5: {  	_ = 	snop  }
0x6: {  	_ = 	snop  }
0x7: {  	_ = 	snop  }
__scs_overlays_trampoline_lowered:
0x8: {  	[smem:$0x3FAD] =	sst s0  }
0x9: {  	[smem:$0x3FAE] =	sst s1  }
0xa: {  	[smem:$0x3FAF] =	sst s2  }
0xb: {  	[smem:$0x3FB0] =	sst s3  }
0xc: {  	[smem:$0x3FB1] =	sst s4  }
0xd: {  	[smem:$0x3FB2] =	sst s5  }
0xe: {  	[smem:$0x3FB3] =	sst s6  }
0xf: {  	[smem:$0x3FB4] =	sst s7  }
0x10: {  	[smem:$0x3FB5] =	sst s8  }
0x11: {  	[smem:$0x3FB6] =	sst s9;
	s0 =	simm.s32 @!p0 $0x0  }
0x12: {  	s1 =	sld [smem:$0x3F9C];
	s0 =	simm.s32 @p0 $0x1  }
0x13: {  	[smem:$0x3FB7] =	sst s0;
	s0 =	simm.s32 @!p1 $0x0  }
0x14: {  	s2 =	sld [smem:$0x3F9B];
	s0 =	simm.s32 @p1 $0x1  }
0x15: {  	[smem:$0x3FB8] =	sst s0;
	s0 =	simm.s32 @!p2 $0x0  }
0x16: {  	s3 =	sld [smem:$0x3FDB];
	s0 =	simm.s32 @p2 $0x1  }
0x17: {  	s4 =	simm.s32 $0x1BF5;
	[smem:$0x3FBA] =	sst s0  }
0x18: {  	s0 =	sld [smem:$0x3F9D];
	_ =	swait.ge [sflag:s4], $0x0  }
0x19: {  	s7 =	sld [smem:$0x3F9E]  }
0x1a: {  	s8 =	sadd.s32 $0xFFFFE003, lr  }
0x1b: {  	s9 =	sadd.s32 $0xFFFFFEF7, lr;
	s5 =	simm.s32 $0xFFFFFFFF;
	p2 =	slt.u32 s8, $0xFFFFF086  }
0x1c: {  	p1 =	slt.u32 s9, $0xF7A;
	s5 =	simm.s32 @!p2 $0x0  }
0x1d: {  	s5 =	simm.s32 @p1 $0x1;
	p0 =	seq.s32 s7, s2  }
0x1e: {  	s7 =	smul.u32 @!p0 $0xF7A, s2;
	p2 =	seq.s32 @!p0 s5, $0x0  }
0x1f: {  	s9 =	smul.u32 $0xF7A, s1;
	s8 =	simm.s32 @!p0 $0x1BF5;
	p2 =	por !p2, p0  }
0x20: {  	[sflag:s8] =	ssyncset.s32 @!p0 $0xFFFFF086;
	s6 =	sadd.s32 @!p0 s3, s7;
	s7 =	simm.s32 @!p0 $0x108  }
0x21: {  	s3 =	sadd.s32 s3, s9;
	s6 =	sadd.s32 @!p0 $0x88, s6;
	s7 =	simm.s32 @p2 $0x1082  }
0x22: {  	[simem:s7], [sflag:s8] =	dma.local @!p0 [hbm:s6], $0xF7A  }
0x23: {  	s9 =	sor.u32 $0xD0000000, s2;
	s6 =	simm.s32 $0x108;
	_ =	swait.ge @!p0 [sflag:s8], $0x0  }
0x24: {  	s3 =	sadd.s32 $0x88, s3;
	s6 =	simm.s32 @!p1 $0x1082;
	[sflag:s4] =	ssyncset.s32 $0xFFFFF086  }
0x25: {  	[simem:s6], [sflag:s4] =	dma.local [hbm:s3], $0xF7A  }
0x26: {  	[smem:$0x3F9E] =	sst s1;
	(tag) =	ssettag s2;
	_ =	strace s9  }
0x27: {  	s1 =	sld [smem:$0x3FAE]  }
0x28: {  	s2 =	sld [smem:$0x3FAF]  }
0x29: {  	s4 =	sld [smem:$0x3FB1]  }
0x2a: {  	p0 =	seq.s32 s5, $0x0;
	s5 =	sld [smem:$0x3FB2]  }
0x2b: {  	s6 =	sld [smem:$0x3FB3]  }
0x2c: {  	s7 =	sld [smem:$0x3FB4]  }
0x2d: {  	s3 =	simm.s32 $0x108;
	s8 =	sld [smem:$0x3FB5]  }
0x2e: {  	s3 =	simm.s32 @!p0 $0x1082;
	s9 =	sld [smem:$0x3FB6]  }
0x2f: {  	lr =	sadd.s32 s0, s3;
	s0 =	sld [smem:$0x3FAD]  }
0x30: {  	s3 =	sld [smem:$0x3FB0]  }
0x31: {  	[smem:$0x3FB9] =	sst s10  }
0x32: {  	s10 =	sld [smem:$0x3FB7];
	_ =	sdelay $0x3  }
0x33: {  	p0 =	seq.s32 s10, $0x1;
	s10 =	sld [smem:$0x3FB9];
	_ =	sdelay $0x3  }
0x34: {  	[smem:$0x3FB9] =	sst s10  }
0x35: {  	s10 =	sld [smem:$0x3FB8];
	_ =	sdelay $0x3  }
0x36: {  	p1 =	seq.s32 s10, $0x1;
	s10 =	sld [smem:$0x3FB9];
	_ =	sdelay $0x3  }
0x37: {  	[smem:$0x3FB9] =	sst s10  }
0x38: {  	s10 =	sld [smem:$0x3FBA]  }
0x39: {  	_ = 	snop;
	(pc) =	sbr.ind lr, $3  }
0x3a: {  	_ = 	snop  }
0x3b: {  	_ = 	snop  }
0x3c: {  	p2 =	seq.s32 s10, $0x1;
	s10 =	sld [smem:$0x3FB9]  }
0x3d: {  	_ =	shalt  }
0x3e: {  	_ =	shalt  }
0x3f: {  	_ =	shalt  }
0x40: {  	_ =	shalt  }
0x41: {  	_ =	shalt  }
0x42: {  	_ =	shalt  }
0x43: {  	_ =	shalt  }
0x44: {  	_ =	shalt  }
0x45: {  	_ =	shalt  }
0x46: {  	_ =	shalt  }
0x47: {  	_ =	shalt  }
0x48: {  	_ =	shalt  }
0x49: {  	_ =	shalt  }
0x4a: {  	_ =	shalt  }
0x4b: {  	_ =	shalt  }
0x4c: {  	_ =	shalt  }
0x4d: {  	_ =	shalt  }
0x4e: {  	_ =	shalt  }
0x4f: {  	_ =	shalt  }
0x50: {  	_ =	shalt  }
0x51: {  	_ =	shalt  }
0x52: {  	_ =	shalt  }
0x53: {  	_ =	shalt  }
0x54: {  	_ =	shalt  }
0x55: {  	_ =	shalt  }
0x56: {  	_ =	shalt  }
0x57: {  	_ =	shalt  }
0x58: {  	_ =	shalt  }
0x59: {  	_ =	shalt  }
0x5a: {  	_ =	shalt  }
0x5b: {  	_ =	shalt  }
0x5c: {  	_ =	shalt  }
0x5d: {  	_ =	shalt  }
0x5e: {  	_ =	shalt  }
0x5f: {  	_ =	shalt  }
0x60: {  	_ =	shalt  }
0x61: {  	_ =	shalt  }
0x62: {  	_ =	shalt  }
0x63: {  	_ =	shalt  }
0x64: {  	_ =	shalt  }
0x65: {  	_ =	shalt  }
0x66: {  	_ =	shalt  }
0x67: {  	_ =	shalt  }
0x68: {  	_ =	shalt  }
0x69: {  	_ =	shalt  }
0x6a: {  	_ =	shalt  }
0x6b: {  	_ =	shalt  }
0x6c: {  	_ =	shalt  }
0x6d: {  	_ =	shalt  }
0x6e: {  	_ =	shalt  }
0x6f: {  	_ =	shalt  }
0x70: {  	_ =	shalt  }
0x71: {  	_ =	shalt  }
0x72: {  	_ =	shalt  }
0x73: {  	_ =	shalt  }
0x74: {  	_ =	shalt  }
0x75: {  	_ =	shalt  }
0x76: {  	_ =	shalt  }
0x77: {  	_ =	shalt  }
0x78: {  	_ =	shalt  }
0x79: {  	_ =	shalt  }
0x7a: {  	_ =	shalt  }
0x7b: {  	_ =	shalt  }
0x7c: {  	_ =	shalt  }
0x7d: {  	_ =	shalt  }
0x7e: {  	_ =	shalt  }
0x7f: {  	_ =	shalt  }
0x80: {  	_ =	shalt  }
0x81: {  	_ =	shalt  }
0x82: {  	_ =	shalt  }
0x83: {  	_ =	shalt  }
0x84: {  	_ =	shalt  }
0x85: {  	_ =	shalt  }
0x86: {  	_ =	shalt  }
0x87: {  	_ =	shalt  }
.Lfunc_end0:
.L_simem_size_0:
called_computation_lowered:
.L_overlay_start_0:
0x88: {  	s2 =	sld [smem:$0x3FD9]  }
0x89: {  	s3 =	sld [smem:$0x3FFE];
	_ =	sdelay $0x1  }
0x8a: {  	s1 =	srdreg.scid  }
0x8b: {  	s0 =	sand.u32 $0x1, s1  }
0x8c: {  	s17 =	sshll.u32 s0, $0xA;
	s2 =	sadd.s32 s3, s2  }
0x8d: {  	s2 =	sadd.s32 s2, s17  }
0x8e: {  	[smem:$0x3FC5] =	sst s2  }
0x8f: {  	_ = 	snop  }
0x90: {  	s2 =	sld [smem:$0x3FC7]  }
0x91: {  	s18 =	sld [smem:$0x3FD0];
	(tm) =	ssettm $0x1  }
0x92: {  	s4 =	sld [smem:$0x3FFB];
	_ =	sdelay $0x3  }
0x93: {  	_ =	strace s4  }
0x94: {  	s4 =	sld [smem:$0x3FFC];
	_ =	sdelay $0x3  }
0x95: {  	_ =	strace s4  }
0x96: {  	s4 =	sld [smem:$0x3FFD];
	_ =	sdelay $0x3  }
0x97: {  	_ =	strace s4  }
0x98: {  	_ =	strace $0x8FFFFFFF  }
0x99: {  	s19 =	sld [smem:$0x3FDB];
	_ =	sdelay $0x1  }
0x9a: {  	s5 =	simm.s32 $_scs_section_size  }
0x9b: {  	s6 =	simm.s32 $_size__tile_overlayer_lowered;
	s7 =	simm.s32 $_tile_overlayer_lowered  }
0x9c: {  	s22 =	simm.s32 $0x1BFF;
	s21 =	sshll.u32 s7, $0x1;
	s4 =	sadd.s32 s5, s19  }
0x9d: {  	s8 =	simm.s32 $0x0;
	s20 =	sshll.u32 s6, $0x1;
	s6 =	sadd.s32 s21, s4  }
0x9e: {  	[timem:s8], [sflag:s22] =	dma.local [hbm:s6], s20  }
0x9f: {  	_ =	swait.ge [sflag:s22], s20  }
0xa0: {  	s5 =	ssub.s32 $0x0, s20;
	[sflag:s22] =	ssyncset.done $0x0  }
0xa1: {  	[sflag:s22] =	ssyncadd.s32 s5;
	_ =	sdelay $0x1  }
0xa2: {  	s23 =	simm.s32 $0x1B8B  }
0xa3: {  	_ =	swait.ge [sflag:s23], $0x1  }
0xa4: {  	[sflag:s23] =	ssyncset.done $0x0  }
0xa5: {  	s25 =	simm.s32 $0x1B8E;
	s24 =	sld [smem:$0x3FFE];
	[sflag:s23] =	ssyncadd.s32 $0xFFFFFFFF  }
0xa6: {  	s26 =	simm.s32 $execute0_lowered;
	[smem:$0x3FD2] =	sst s25  }
0xa7: {  	s6 =	sshll.u32 s26, $0x1;
	_ =	strace $0x80000046;
	[dreg:$0x1] =	wrdreg $0xFFFFFFFF  }
0xa8: {  	s28 =	simm.s32 $_size_execute0_lowered;
	s4 =	sadd.s32 s4, s6;
	[dreg:$0x0] =	wrdreg $0x0  }
0xa9: {  	s6 =	sshll.u32 s28, $0x1;
	[dreg:$0x2] =	wrdreg s4  }
0xaa: {  	[dreg:$0x3] =	wrdreg s6  }
0xab: {  	[dreg:$0x4] =	wrdreg $0xC0  }
0xac: {  	_ =	task [dreg:s8], $0x5FFFF  }
0xad: {  	[dreg:$0x1] =	wrdreg $0xFFFFFFFF  }
0xae: {  	[dreg:$0x0] =	wrdreg $0x60  }
0xaf: {  	[dreg:$0x2] =	wrdreg s18  }
0xb0: {  	[dreg:$0x3] =	wrdreg s24  }
0xb1: {  	[dreg:$0x4] =	wrdreg s2  }
0xb2: {  	[dreg:$0x5] =	wrdreg $0x9  }
0xb3: {  	_ =	task.clear_ibuf [dreg:s8], $0x6FFFF;
	_ =	strace $0x90000046  }
0xb4: {  	s29 =	simm.s32 $0x9;
	_ =	strace $0x80000048  }
0xb5: {  	_ =	swait.ge [sflag:s29], $0x1  }
0xb6: {  	[sflag:s29] =	ssyncadd.s32 $0xFFFFFFFF  }
0xb7: {  	_ =	strace $0x90000048  }
0xb8: {  	_ =	sfence  }
0xb9: {  	s30 =	sld [smem:$0x0];
	_ =	sdelay $0x2  }
0xba: {  	s31 =	sshll.u32 s1, $0xD;
	s1 =	sshrl.u32 s1, $0x2  }
0xbb: {  	s3 =	sand.u32 $0x4000, s31;
	s1 =	sadd.s32 s1, s30  }
0xbc: {  	s0 =	sor.u32 s3, s0;
	s1 =	sshll.u32 s1, $0x11  }
0xbd: {  	s0 =	sor.u32 s1, s0  }
0xbe: {  	s0 =	sadd.s32 $0x8F2B, s0  }
0xbf: {  	[sflag:s0] =	ssyncadd.remote.s32 $0x1  }
0xc0: {  	_ =	sfence.sel $0xFFFF  }
0xc1: {  	[dreg:$0x0] =	wrdreg $0xFFFFFFFF;
	(pc) =	sbr.abs _section_cstart, $3  }
0xc2: {  	[dreg:$0x1] =	wrdreg $0xFFFFFFFF  }
0xc3: {  	_ =	task.clear_ibuf [dreg:s8], $0x2FFFF;
	_ =	strace $0x9FFFFFFF  }
0xc4: {  	(tm) =	ssettm $0x7FFFFFFF  }
0xc5: {  	_ =	shalt  }
tec
execute0_lowered:
.L_overlay_start_1:
0x0: {  	(tag) =	ssettag $0x1  }
0x1: {  	s0 =	srdreg.scid;
	s1 =	stileid.u32  }
0x2: {  	s0 =	sand.u32 $0x1, s0;
	s1 =	sshll.u32 s1, $0x1  }
0x3: {  	s3 =	sor.u32 s0, s1  }
0x4: {  	s3 =	smul.u32 $0x19000, s3  }
0x5: {  	s4 =	rddreg [dreg:$0x1]  }
0x6: {  	s2 =	rddreg [dreg:$0x0];
	s5 =	sadd.s32 $0x1400, s4;
	s3 =	sshrl.u32 s3, $0x3  }
0x7: {  	s4 =	sadd.s32 $0x65400, s4;
	s1 =	simm.s32 $0x0;
	s18 =	sadd.s32 $0x500, s3  }
0x8: {  	s0 =	ssub.s32 $0x2, s0;
	[smem:$0x7FF] =	sst s1;
	s7 =	sadd.s32 s2, s18  }
0x9: {  	s20 =	sadd.s32 $0xA00, s3;
	s19 =	sadd.s32 s5, s18;
	[dreg:$0x4] =	wrdreg s7  }
0xa: {  	s6 =	sshrl.u32 s0, $0x1;
	s8 =	sadd.s32 s2, s20;
	[dreg:$0x5] =	wrdreg s19  }
0xb: {  	s6 =	ssub.s32 s0, s6;
	s21 =	sadd.s32 s5, s20;
	[dreg:$0x6] =	wrdreg s8  }
0xc: {  	s22 =	sadd.s32 $0xF00, s3;
	s0 =	sadd.s32 s4, s18;
	[dreg:$0x7] =	wrdreg s21  }
0xd: {  	s23 =	sadd.s32 s2, s22;
	[dreg:$0x8] =	wrdreg s0  }
0xe: {  	s24 =	sadd.s32 $0x1400, s3;
	s9 =	sadd.s32 s5, s22;
	[dreg:$0x9] =	wrdreg s23  }
0xf: {  	s10 =	sadd.s32 $0x1900, s3;
	s25 =	sadd.s32 s2, s24;
	[dreg:$0xa] =	wrdreg s9  }
0x10: {  	s13 =	sadd.s32 $0x1E00, s3;
	s26 =	sadd.s32 s5, s24;
	[dreg:$0xc] =	wrdreg s25  }
0x11: {  	s17 =	sadd.s32 $0x2300, s3;
	s11 =	sadd.s32 s2, s10;
	[dreg:$0xd] =	wrdreg s26  }
0x12: {  	s12 =	sadd.s32 s5, s10;
	s14 =	sadd.s32 s2, s13;
	[dreg:$0xf] =	wrdreg s11  }
0x13: {  	s15 =	sadd.s32 s5, s13;
	s16 =	sadd.s32 s4, s10;
	[dreg:$0x10] =	wrdreg s12  }
0x14: {  	s18 =	sadd.s32 s4, s13;
	s10 =	simm.s32 $0x2;
	[dreg:$0x12] =	wrdreg s14  }
0x15: {  	s13 =	simm.s32 $0x4;
	s7 =	sadd.s32 s4, s20;
	[dreg:$0x13] =	wrdreg s15  }
0x16: {  	s9 =	sadd.s32 s4, s22;
	s0 =	sadd.s32 s4, s24;
	[dreg:$0x14] =	wrdreg s16  }
0x17: {  	[dreg:$0x15] =	wrdreg s18;
	s20 =	sadd.s32 s2, s17;
	s21 =	sadd.s32 s5, s17  }
0x18: {  	s22 =	sadd.s32 s4, s17;
	s23 =	sadd.s32 s2, s3;
	s24 =	sadd.s32 s5, s3  }
0x19: {  	s19 =	sadd.s32 $0x2800, s3;
	s25 =	sadd.s32 s4, s3;
	s3 =	sadd.s32 $0x2D00, s3  }
0x1a: {  	s8 =	simm.s32 $0x1;
	s11 =	simm.s32 $0xC880;
	[dreg:$0xb] =	wrdreg s7  }
0x1b: {  	s12 =	simm.s32 $0x3;
	s14 =	simm.s32 $0x0;
	[dreg:$0xe] =	wrdreg s9  }
0x1c: {  	[dreg:$0x11] =	wrdreg s0;
	s28 =	sadd.s32 s2, s19;
	s29 =	sadd.s32 s2, s3  }
0x1d: {  	s31 =	sadd.s32 s5, s19;
	s26 =	sadd.s32 s5, s3;
	s0 =	sadd.s32 s4, s19  }
0x1e: {  	s30 =	sadd.s32 s4, s3;
	s2 =	smax.u32 s6, $0x1;
	s3 =	simm.s32 $0x5  }
0x1f: {  	s4 =	simm.s32 $0x80;
	s5 =	simm.s32 $0x5080;
	s6 =	simm.s32 $0x2880  }
0x20: {  	s7 =	simm.s32 $0x7880;
	s9 =	simm.s32 $0xA080;
	_ =	strace $0x80000047  }
.LBB2_1:
0x21: {  	s15 =	rddreg [dreg:$0x2]  }
0x22: {  	[tilespmem:s1], [sflag:$0x5] =	stream.linear.gather [hbm4b:s15+s1], $0x80, $0x38;
	[tilespmem:$0xF080] =	vst v63  }
0x23: {  	_ =	swait.ge [sflag:s3], $0x80  }
0x24: {  	[sflag:s3] =	ssyncset.done $0x0  }
0x25: {  	[sflag:s3] =	ssyncadd.s32 $0xFFFFFF80  }
0x26: {  	[tilespmem:s4], [sflag:$0x1] =	stream.linear.gather [hbm4b:s23+s1], $0x2800, $0x38;
	[tilespmem:$0xF080] =	vst v63  }
0x27: {  	_ = 	snop  }
0x28: {  	[tilespmem:s5], [sflag:$0x1] =	stream.linear.gather [hbm4b:s24+s1], $0x2800, $0x38;
	[tilespmem:$0xF080] =	vst v63  }
0x29: {  	s16 =	rddreg [dreg:$0x4]  }
0x2a: {  	[tilespmem:s6], [sflag:$0x2] =	stream.linear.gather [hbm4b:s16+s1], $0x2800, $0x38;
	[tilespmem:$0xF080] =	vst v63  }
0x2b: {  	s17 =	rddreg [dreg:$0x5]  }
0x2c: {  	[tilespmem:s7], [sflag:$0x2] =	stream.linear.gather [hbm4b:s17+s1], $0x2800, $0x38;
	[tilespmem:$0xF080] =	vst v63  }
0x2d: {  	_ =	swait.ge [sflag:s8], $0x2800  }
0x2e: {  	[sflag:s8] =	ssyncset.done $0x0  }
0x2f: {  	[sflag:s8] =	ssyncadd.s32 $0xFFFFD800  }
0x30: {  	_ =	swait.ge [sflag:s8], $0x2800  }
0x31: {  	[sflag:s8] =	ssyncset.done $0x0  }
0x32: {  	s18 =	simm.s32 $0xC0;
	[sflag:s8] =	ssyncadd.s32 $0xFFFFD800  }
0x33: {  	v0 =	vld [tilespmem:s18+$0x30]  }
0x34: {  	v1 =	vld [tilespmem:s18+$0xFFFFFFC0]  }
0x35: {  	s16 =	simm.s32 $0x50C0;
	v2 =	vld [tilespmem:s18+$0xFFFFFFD0]  }
0x36: {  	v3 =	vld [tilespmem:s16+$0x30]  }
0x37: {  	v4 =	vld [tilespmem:s18+$0xFFFFFFE0]  }
0x38: {  	v5 =	vld [tilespmem:s18+$0xFFFFFFF0]  }
0x39: {  	v6 =	vld [tilespmem:s18+$0x0]  }
0x3a: {  	v7 =	vld [tilespmem:s18+$0x10]  }
0x3b: {  	v8 =	vld [tilespmem:s18+$0x20]  }
0x3c: {  	v9 =	vld [tilespmem:s16+$0xFFFFFFD0]  }
0x3d: {  	v10 =	vld [tilespmem:s16+$0xFFFFFFE0]  }
0x3e: {  	v11 =	vld [tilespmem:s16+$0xFFFFFFF0]  }
0x3f: {  	v12 =	vld [tilespmem:s16+$0x0]  }
0x40: {  	v13 =	vld [tilespmem:s16+$0x10]  }
0x41: {  	v14 =	vld [tilespmem:s16+$0x20]  }
0x42: {  	s19 =	simm.s32 $0x140;
	v15 =	vld [tilespmem:s16+$0xFFFFFFC0];
	v0 =	vmul.f32 $1.442695020e+00, v0  }
0x43: {  	s15 =	simm.s32 $0x5140;
	v16 =	vld [tilespmem:s19+$0x20];
	v1 =	vmul.f32 $1.442695020e+00, v1  }
0x44: {  	v20 =	vld [tilespmem:s15+$0x0];
	v2 =	vmul.f32 $1.442695020e+00, v2;
	(erf) = vpow2.f32 v0  }
0x45: {  	v0 =	vld [tilespmem:s19+$0x30];
	(erf) = vpow2.f32 v1;
	v1 =	vmul.f32 $1.442695020e+00, v4  }
0x46: {  	v4 =	vld [tilespmem:s19+$0xFFFFFFC0];
	(erf) = vpow2.f32 v2;
	v2 =	vmul.f32 $1.442695020e+00, v5  }
0x47: {  	v6 =	vmul.f32 $1.442695020e+00, v6;
	v5 =	vld [tilespmem:s19+$0xFFFFFFD0];
	(erf) = vpow2.f32 v1  }
0x48: {  	v1 =	vld [tilespmem:s15+$0x30];
	(erf) = vpow2.f32 v2  }
0x49: {  	v7 =	vmul.f32 $1.442695020e+00, v7;
	(erf) = vpow2.f32 v6;
	v6 =	vld [tilespmem:s19+$0xFFFFFFF0]  }
0x4a: {  	v2 =	vld [tilespmem:s19+$0xFFFFFFE0];
	v0 =	vmul.f32 $1.442695020e+00, v0  }
0x4b: {  	v8 =	vmul.f32 $1.442695020e+00, v8;
	(erf) = vpow2.f32 v7;
	v7 =	vld [tilespmem:s19+$0x0]  }
0x4c: {  	v3 =	vld.idx.msk [tilespmem:v3+s1+$0x0], $0xffff;
	v4 =	vmul.f32 $1.442695020e+00, v4  }
0x4d: {  	v10 =	vld.idx.msk [tilespmem:v10+s1+$0x0], $0xffff;
	(erf) = vpow2.f32 v8;
	v5 =	vmul.f32 $1.442695020e+00, v5  }
0x4e: {  	v11 =	vld.idx.msk [tilespmem:v11+s1+$0x0], $0xffff;
	(erf) = vpow2.f32 v0;
	v0 =	vpop (erf);
	v6 =	vmul.f32 $1.442695020e+00, v6  }
0x4f: {  	v8 =	vld [tilespmem:s19+$0x10];
	(erf) = vpow2.f32 v4;
	v2 =	vmul.f32 $1.442695020e+00, v2;
	v17 =	vpop (erf)  }
0x50: {  	v13 =	vld.idx.msk [tilespmem:v13+s1+$0x0], $0xffff;
	(erf) = vpow2.f32 v5;
	v18 =	vpop (erf);
	v7 =	vmul.f32 $1.442695020e+00, v7  }
0x51: {  	v19 =	vld.idx.msk [tilespmem:v1+s1+$0x0], $0xffff;
	(erf) = vpow2.f32 v2;
	v1 =	vpop (erf)  }
0x52: {  	v9 =	vld.idx.msk [tilespmem:v9+s1+$0x0], $0xffff;
	v0 =	vmul.f32 v0, v3;
	(erf) = vpow2.f32 v6;
	v6 =	vpop (erf)  }
0x53: {  	v21 =	vld [tilespmem:s15+$0x10];
	s16 =	simm.s32 $0xA0C0;
	v3 =	vpop (erf);
	v6 =	vmul.f32 v6, v11  }
0x54: {  	v4 =	vld [tilespmem:s15+$0xFFFFFFD0];
	v8 =	vmul.f32 $1.442695020e+00, v8;
	[tilespmem:s16+$0x30] =	vst v0;
	(erf) = vpow2.f32 v7;
	v7 =	vpop (erf)  }
0x55: {  	v5 =	vld [tilespmem:s15+$0xFFFFFFE0];
	v0 =	vmul.f32 v1, v10;
	[tilespmem:s16+$0xFFFFFFF0] =	vst v6;
	v6 =	vmul.f32 v7, v13  }
0x56: {  	v12 =	vld.idx.msk [tilespmem:v12+s1+$0x0], $0xffff;
	(erf) = vpow2.f32 v8  }
0x57: {  	v2 =	vld [tilespmem:s15+$0xFFFFFFF0];
	v8 =	vmul.f32 v18, v9;
	v9 =	vpop (erf);
	[tilespmem:s16+$0x10] =	vst v6;
	v6 =	vmul.f32 $1.442695020e+00, v16  }
0x58: {  	v63 =	vld [tilespmem:s15+$0x20];
	v10 =	vpop (erf)  }
0x59: {  	v14 =	vld.idx.msk [tilespmem:v14+s1+$0x0], $0xffff;
	[tilespmem:s16+$0xFFFFFFE0] =	vst v0;
	v0 =	vpop (erf);
	(erf) = vpow2.f32 v6  }
0x5a: {  	v15 =	vld.idx.msk [tilespmem:v15+s1+$0x0], $0xffff  }
0x5b: {  	v1 =	vld [tilespmem:s15+$0xFFFFFFC0]  }
0x5c: {  	v3 =	vmul.f32 v3, v12;
	v4 =	vld.idx.msk [tilespmem:v4+s1+$0x0], $0xffff  }
0x5d: {  	[tilespmem:s16+$0xFFFFFFD0] =	vst v8;
	v7 =	vld.idx.msk [tilespmem:v5+s1+$0x0], $0xffff;
	v12 =	vmul.f32 v10, v19;
	v8 =	vpop (erf)  }
0x5e: {  	[tilespmem:s16+$0x0] =	vst v3;
	v5 =	vmul.f32 v9, v14;
	v3 =	vld.idx.msk [tilespmem:v20+s1+$0x0], $0xffff;
	v11 =	vpop (erf)  }
0x5f: {  	v2 =	vld.idx.msk [tilespmem:v2+s1+$0x0], $0xffff;
	v9 =	vpop (erf)  }
0x60: {  	s17 =	simm.s32 $0xA140;
	[tilespmem:s16+$0x20] =	vst v5;
	v5 =	vld.idx.msk [tilespmem:v21+s1+$0x0], $0xffff;
	v10 =	vpop (erf)  }
0x61: {  	s18 =	simm.s32 $0x8;
	s19 =	simm.s32 $0x1C0;
	v13 =	vmul.f32 v17, v15;
	[tilespmem:s17+$0x30] =	vst v12;
	v6 =	vld.idx.msk [tilespmem:v63+s1+$0x0], $0xffff;
	v12 =	vpop (erf)  }
.LBB2_2:
0x62: {  	v14 =	vld [tilespmem:s19+$0x30];
	s18 =	sadd.s32 $0x8, s18;
	v4 =	vmul.f32 v8, v4;
	v8 =	vpop (erf)  }
0x63: {  	v7 =	vmul.f32 v11, v7;
	v15 =	vld [tilespmem:s19+$0xFFFFFFC0];
	p0 =	slt.u32 s18, $0x278;
	[tilespmem:s16+$0xFFFFFFC0] =	vst v13;
	s16 =	smov.u32 s17  }
0x64: {  	s15 =	sadd.s32 $0x80, s15;
	v2 =	vmul.f32 v9, v2;
	v11 =	vld [tilespmem:s19+$0xFFFFFFD0];
	[tilespmem:s17+$0xFFFFFFD0] =	vst v4  }
0x65: {  	v3 =	vmul.f32 v10, v3;
	v4 =	vld [tilespmem:s15+$0x30];
	[tilespmem:s17+$0xFFFFFFE0] =	vst v7  }
0x66: {  	v7 =	vld [tilespmem:s19+$0xFFFFFFE0];
	[tilespmem:s17+$0xFFFFFFF0] =	vst v2;
	v2 =	vmul.f32 v12, v5  }
0x67: {  	v5 =	vld [tilespmem:s19+$0xFFFFFFF0];
	v9 =	vmul.f32 $1.442695020e+00, v14;
	[tilespmem:s17+$0x0] =	vst v3;
	v3 =	vmul.f32 v8, v6  }
0x68: {  	v6 =	vmul.f32 $1.442695020e+00, v15;
	v8 =	vld [tilespmem:s19+$0x0];
	[tilespmem:s17+$0x10] =	vst v2  }
0x69: {  	v2 =	vmul.f32 $1.442695020e+00, v11;
	v10 =	vld [tilespmem:s19+$0x10];
	(erf) = vpow2.f32 v9;
	[tilespmem:s17+$0x20] =	vst v3  }
0x6a: {  	v3 =	vld [tilespmem:s19+$0x20];
	(erf) = vpow2.f32 v6  }
0x6b: {  	v6 =	vld [tilespmem:s15+$0xFFFFFFD0];
	v7 =	vmul.f32 $1.442695020e+00, v7;
	(erf) = vpow2.f32 v2  }
0x6c: {  	v2 =	vld [tilespmem:s15+$0xFFFFFFE0];
	v5 =	vmul.f32 $1.442695020e+00, v5  }
0x6d: {  	v8 =	vmul.f32 $1.442695020e+00, v8;
	v4 =	vld.idx.msk [tilespmem:v4+s1+$0x0], $0xffff;
	(erf) = vpow2.f32 v7  }
0x6e: {  	v9 =	vld [tilespmem:s15+$0xFFFFFFF0];
	v7 =	vmul.f32 $1.442695020e+00, v10;
	(erf) = vpow2.f32 v5  }
0x6f: {  	v5 =	vld [tilespmem:s15+$0x0];
	v11 =	vmul.f32 $1.442695020e+00, v3;
	(erf) = vpow2.f32 v8  }
0x70: {  	v10 =	vld [tilespmem:s15+$0x10];
	(erf) = vpow2.f32 v7  }
0x71: {  	v12 =	vld [tilespmem:s15+$0x20];
	(erf) = vpow2.f32 v11  }
0x72: {  	v13 =	vld [tilespmem:s15+$0xFFFFFFC0];
	v3 =	vpop (erf)  }
0x73: {  	v3 =	vmul.f32 v3, v4;
	v14 =	vpop (erf);
	v15 =	vld.idx.msk [tilespmem:v1+s1+$0x0], $0xffff  }
0x74: {  	s17 =	sadd.s32 $0x80, s17;
	v4 =	vld.idx.msk [tilespmem:v6+s1+$0x0], $0xffff;
	v8 =	vpop (erf)  }
.Ltmp0:
0x75: {  	v7 =	vld.idx.msk [tilespmem:v2+s1+$0x0], $0xffff;
	[tilespmem:s17+$0x30] =	vst v3;
	(pc) =	sbr.rel @p0 .LBB2_2-.Ltmp0, $4  }
0x76: {  	v2 =	vld.idx.msk [tilespmem:v9+s1+$0x0], $0xffff;
	v11 =	vpop (erf)  }
0x77: {  	v3 =	vld.idx.msk [tilespmem:v5+s1+$0x0], $0xffff;
	v9 =	vpop (erf);
	v1 =	vmov v13  }
0x78: {  	v5 =	vld.idx.msk [tilespmem:v10+s1+$0x0], $0xffff;
	v10 =	vpop (erf)  }
0x79: {  	s19 =	sadd.s32 $0x80, s19;
	v13 =	vmul.f32 v0, v15;
	v0 =	vmov v14;
	v6 =	vld.idx.msk [tilespmem:v12+s1+$0x0], $0xffff;
	v12 =	vpop (erf)  }
0x7a: {  	_ =	sdelay $0x2  }
0x7b: {  	v4 =	vmul.f32 v8, v4  }
0x7c: {  	v7 =	vmul.f32 v11, v7;
	v1 =	vld.idx.msk [tilespmem:v1+s1+$0x0], $0xffff;
	[tilespmem:s16+$0xFFFFFFC0] =	vst v13  }
0x7d: {  	v2 =	vmul.f32 v9, v2;
	[tilespmem:s17+$0xFFFFFFD0] =	vst v4  }
0x7e: {  	[tilespmem:s17+$0xFFFFFFE0] =	vst v7;
	v3 =	vmul.f32 v10, v3  }
0x7f: {  	[tilespmem:s17+$0xFFFFFFF0] =	vst v2;
	v2 =	vmul.f32 v12, v5;
	v4 =	vpop (erf)  }
0x80: {  	[tilespmem:s17+$0x0] =	vst v3;
	v3 =	vmul.f32 v4, v6  }
0x81: {  	[tilespmem:s17+$0x10] =	vst v2;
	v0 =	vmul.f32 v0, v1  }
0x82: {  	[tilespmem:s17+$0x20] =	vst v3  }
0x83: {  	[tilespmem:s17+$0xFFFFFFC0] =	vst v0  }
0x84: {  	[hbm4b:s25+s1] =	stream.linear.scatter [tilespmem:s9], [sflag:$0x3], $0x2800, $0x38;
	[tilespmem:$0xF080] =	vst v63  }
0x85: {  	s15 =	rddreg [dreg:$0x6]  }
0x86: {  	[tilespmem:s4], [sflag:$0x1] =	stream.linear.gather [hbm4b:s15+s1], $0x2800, $0x38;
	[tilespmem:$0xF080] =	vst v63  }
0x87: {  	s16 =	rddreg [dreg:$0x7]  }
0x88: {  	[tilespmem:s5], [sflag:$0x1] =	stream.linear.gather [hbm4b:s16+s1], $0x2800, $0x38;
	[tilespmem:$0xF080] =	vst v63  }
0x89: {  	_ =	swait.ge [sflag:s10], $0x2800  }
0x8a: {  	[sflag:s10] =	ssyncset.done $0x0  }
0x8b: {  	[sflag:s10] =	ssyncadd.s32 $0xFFFFD800  }
0x8c: {  	_ =	swait.ge [sflag:s10], $0x2800  }
0x8d: {  	[sflag:s10] =	ssyncset.done $0x0  }
0x8e: {  	s17 =	simm.s32 $0x28C0;
	[sflag:s10] =	ssyncadd.s32 $0xFFFFD800  }
0x8f: {  	v0 =	vld [tilespmem:s17+$0x30]  }
0x90: {  	v1 =	vld [tilespmem:s17+$0xFFFFFFC0]  }
0x91: {  	s18 =	simm.s32 $0x78C0;
	v2 =	vld [tilespmem:s17+$0xFFFFFFD0]  }
0x92: {  	v3 =	vld [tilespmem:s18+$0x30]  }
0x93: {  	v4 =	vld [tilespmem:s17+$0xFFFFFFE0]  }
0x94: {  	v5 =	vld [tilespmem:s17+$0xFFFFFFF0]  }
0x95: {  	v6 =	vld [tilespmem:s17+$0x0]  }
0x96: {  	v7 =	vld [tilespmem:s17+$0x10]  }
0x97: {  	v8 =	vld [tilespmem:s17+$0x20]  }
0x98: {  	v9 =	vld [tilespmem:s18+$0xFFFFFFD0]  }
0x99: {  	v10 =	vld [tilespmem:s18+$0xFFFFFFE0]  }
0x9a: {  	v11 =	vld [tilespmem:s18+$0xFFFFFFF0]  }
0x9b: {  	v12 =	vld [tilespmem:s18+$0x0]  }
0x9c: {  	v13 =	vld [tilespmem:s18+$0x10]  }
0x9d: {  	v14 =	vld [tilespmem:s18+$0x20]  }
0x9e: {  	s19 =	simm.s32 $0x2940;
	v15 =	vld [tilespmem:s18+$0xFFFFFFC0];
	v0 =	vmul.f32 $1.442695020e+00, v0  }
0x9f: {  	s15 =	simm.s32 $0x7940;
	v16 =	vld [tilespmem:s19+$0x20];
	v1 =	vmul.f32 $1.442695020e+00, v1  }
0xa0: {  	v20 =	vld [tilespmem:s15+$0x0];
	v2 =	vmul.f32 $1.442695020e+00, v2;
	(erf) = vpow2.f32 v0  }
0xa1: {  	v0 =	vld [tilespmem:s19+$0x30];
	(erf) = vpow2.f32 v1;
	v1 =	vmul.f32 $1.442695020e+00, v4  }
0xa2: {  	v4 =	vld [tilespmem:s19+$0xFFFFFFC0];
	(erf) = vpow2.f32 v2;
	v2 =	vmul.f32 $1.442695020e+00, v5  }
0xa3: {  	v6 =	vmul.f32 $1.442695020e+00, v6;
	v5 =	vld [tilespmem:s19+$0xFFFFFFD0];
	(erf) = vpow2.f32 v1  }
0xa4: {  	v1 =	vld [tilespmem:s15+$0x30];
	(erf) = vpow2.f32 v2  }
0xa5: {  	v7 =	vmul.f32 $1.442695020e+00, v7;
	(erf) = vpow2.f32 v6;
	v6 =	vld [tilespmem:s19+$0xFFFFFFF0]  }
0xa6: {  	v2 =	vld [tilespmem:s19+$0xFFFFFFE0];
	v0 =	vmul.f32 $1.442695020e+00, v0  }
0xa7: {  	v8 =	vmul.f32 $1.442695020e+00, v8;
	(erf) = vpow2.f32 v7;
	v7 =	vld [tilespmem:s19+$0x0]  }
0xa8: {  	v3 =	vld.idx.msk [tilespmem:v3+s1+$0x0], $0xffff;
	v4 =	vmul.f32 $1.442695020e+00, v4  }
0xa9: {  	v10 =	vld.idx.msk [tilespmem:v10+s1+$0x0], $0xffff;
	(erf) = vpow2.f32 v8;
	v5 =	vmul.f32 $1.442695020e+00, v5  }
0xaa: {  	v11 =	vld.idx.msk [tilespmem:v11+s1+$0x0], $0xffff;
	(erf) = vpow2.f32 v0;
	v0 =	vpop (erf);
	v6 =	vmul.f32 $1.442695020e+00, v6  }
0xab: {  	v8 =	vld [tilespmem:s19+$0x10];
	(erf) = vpow2.f32 v4;
	v2 =	vmul.f32 $1.442695020e+00, v2;
	v17 =	vpop (erf)  }
0xac: {  	v13 =	vld.idx.msk [tilespmem:v13+s1+$0x0], $0xffff;
	(erf) = vpow2.f32 v5;
	v18 =	vpop (erf);
	v7 =	vmul.f32 $1.442695020e+00, v7  }
0xad: {  	v19 =	vld.idx.msk [tilespmem:v1+s1+$0x0], $0xffff;
	(erf) = vpow2.f32 v2;
	v1 =	vpop (erf)  }
0xae: {  	v9 =	vld.idx.msk [tilespmem:v9+s1+$0x0], $0xffff;
	v0 =	vmul.f32 v0, v3;
	(erf) = vpow2.f32 v6;
	v6 =	vpop (erf)  }
0xaf: {  	s16 =	simm.s32 $0xC8C0;
	v21 =	vld [tilespmem:s15+$0x10];
	v3 =	vpop (erf);
	v6 =	vmul.f32 v6, v11  }
0xb0: {  	v4 =	vld [tilespmem:s15+$0xFFFFFFD0];
	v8 =	vmul.f32 $1.442695020e+00, v8;
	[tilespmem:s16+$0x30] =	vst v0;
	(erf) = vpow2.f32 v7;
	v7 =	vpop (erf)  }
0xb1: {  	v5 =	vld [tilespmem:s15+$0xFFFFFFE0];
	v0 =	vmul.f32 v1, v10;
	[tilespmem:s16+$0xFFFFFFF0] =	vst v6;
	v6 =	vmul.f32 v7, v13  }
0xb2: {  	v12 =	vld.idx.msk [tilespmem:v12+s1+$0x0], $0xffff;
	(erf) = vpow2.f32 v8  }
0xb3: {  	v2 =	vld [tilespmem:s15+$0xFFFFFFF0];
	v8 =	vmul.f32 v18, v9;
	v9 =	vpop (erf);
	[tilespmem:s16+$0x10] =	vst v6;
	v6 =	vmul.f32 $1.442695020e+00, v16  }
0xb4: {  	v63 =	vld [tilespmem:s15+$0x20];
	v10 =	vpop (erf)  }
0xb5: {  	v14 =	vld.idx.msk [tilespmem:v14+s1+$0x0], $0xffff;
	[tilespmem:s16+$0xFFFFFFE0] =	vst v0;
	v0 =	vpop (erf);
	(erf) = vpow2.f32 v6  }
0xb6: {  	v15 =	vld.idx.msk [tilespmem:v15+s1+$0x0], $0xffff  }
0xb7: {  	v1 =	vld [tilespmem:s15+$0xFFFFFFC0]  }
0xb8: {  	v3 =	vmul.f32 v3, v12;
	v4 =	vld.idx.msk [tilespmem:v4+s1+$0x0], $0xffff  }
0xb9: {  	[tilespmem:s16+$0xFFFFFFD0] =	vst v8;
	v7 =	vld.idx.msk [tilespmem:v5+s1+$0x0], $0xffff;
	v12 =	vmul.f32 v10, v19;
	v8 =	vpop (erf)  }
0xba: {  	[tilespmem:s16+$0x0] =	vst v3;
	v5 =	vmul.f32 v9, v14;
	v3 =	vld.idx.msk [tilespmem:v20+s1+$0x0], $0xffff;
	v11 =	vpop (erf)  }
0xbb: {  	v2 =	vld.idx.msk [tilespmem:v2+s1+$0x0], $0xffff;
	v9 =	vpop (erf)  }
0xbc: {  	s17 =	simm.s32 $0xC940;
	[tilespmem:s16+$0x20] =	vst v5;
	v5 =	vld.idx.msk [tilespmem:v21+s1+$0x0], $0xffff;
	v10 =	vpop (erf)  }
0xbd: {  	s18 =	simm.s32 $0x8;
	s19 =	simm.s32 $0x29C0;
	v13 =	vmul.f32 v17, v15;
	[tilespmem:s17+$0x30] =	vst v12;
	v6 =	vld.idx.msk [tilespmem:v63+s1+$0x0], $0xffff;
	v12 =	vpop (erf)  }
.LBB2_4:
0xbe: {  	v14 =	vld [tilespmem:s19+$0x30];
	s18 =	sadd.s32 $0x8, s18;
	v4 =	vmul.f32 v8, v4;
	v8 =	vpop (erf)  }
0xbf: {  	v7 =	vmul.f32 v11, v7;
	v15 =	vld [tilespmem:s19+$0xFFFFFFC0];
	p0 =	slt.u32 s18, $0x278;
	[tilespmem:s16+$0xFFFFFFC0] =	vst v13;
	s16 =	smov.u32 s17  }
0xc0: {  	s15 =	sadd.s32 $0x80, s15;
	v2 =	vmul.f32 v9, v2;
	v11 =	vld [tilespmem:s19+$0xFFFFFFD0];
	[tilespmem:s17+$0xFFFFFFD0] =	vst v4  }
0xc1: {  	v3 =	vmul.f32 v10, v3;
	v4 =	vld [tilespmem:s15+$0x30];
	[tilespmem:s17+$0xFFFFFFE0] =	vst v7  }
0xc2: {  	v7 =	vld [tilespmem:s19+$0xFFFFFFE0];
	[tilespmem:s17+$0xFFFFFFF0] =	vst v2;
	v2 =	vmul.f32 v12, v5  }
0xc3: {  	v5 =	vld [tilespmem:s19+$0xFFFFFFF0];
	v9 =	vmul.f32 $1.442695020e+00, v14;
	[tilespmem:s17+$0x0] =	vst v3;
	v3 =	vmul.f32 v8, v6  }
0xc4: {  	v6 =	vmul.f32 $1.442695020e+00, v15;
	v8 =	vld [tilespmem:s19+$0x0];
	[tilespmem:s17+$0x10] =	vst v2  }
0xc5: {  	v2 =	vmul.f32 $1.442695020e+00, v11;
	v10 =	vld [tilespmem:s19+$0x10];
	(erf) = vpow2.f32 v9;
	[tilespmem:s17+$0x20] =	vst v3  }
0xc6: {  	v3 =	vld [tilespmem:s19+$0x20];
	(erf) = vpow2.f32 v6  }
0xc7: {  	v6 =	vld [tilespmem:s15+$0xFFFFFFD0];
	v7 =	vmul.f32 $1.442695020e+00, v7;
	(erf) = vpow2.f32 v2  }
0xc8: {  	v2 =	vld [tilespmem:s15+$0xFFFFFFE0];
	v5 =	vmul.f32 $1.442695020e+00, v5  }
0xc9: {  	v8 =	vmul.f32 $1.442695020e+00, v8;
	v4 =	vld.idx.msk [tilespmem:v4+s1+$0x0], $0xffff;
	(erf) = vpow2.f32 v7  }
0xca: {  	v9 =	vld [tilespmem:s15+$0xFFFFFFF0];
	v7 =	vmul.f32 $1.442695020e+00, v10;
	(erf) = vpow2.f32 v5  }
0xcb: {  	v5 =	vld [tilespmem:s15+$0x0];
	v11 =	vmul.f32 $1.442695020e+00, v3;
	(erf) = vpow2.f32 v8  }
0xcc: {  	v10 =	vld [tilespmem:s15+$0x10];
	(erf) = vpow2.f32 v7  }
0xcd: {  	v12 =	vld [tilespmem:s15+$0x20];
	(erf) = vpow2.f32 v11  }
0xce: {  	v13 =	vld [tilespmem:s15+$0xFFFFFFC0];
	v3 =	vpop (erf)  }
0xcf: {  	v3 =	vmul.f32 v3, v4;
	v14 =	vpop (erf);
	v15 =	vld.idx.msk [tilespmem:v1+s1+$0x0], $0xffff  }
0xd0: {  	s17 =	sadd.s32 $0x80, s17;
	v4 =	vld.idx.msk [tilespmem:v6+s1+$0x0], $0xffff;
	v8 =	vpop (erf)  }
.Ltmp1:
0xd1: {  	v7 =	vld.idx.msk [tilespmem:v2+s1+$0x0], $0xffff;
	[tilespmem:s17+$0x30] =	vst v3;
	(pc) =	sbr.rel @p0 .LBB2_4-.Ltmp1, $4  }
0xd2: {  	v2 =	vld.idx.msk [tilespmem:v9+s1+$0x0], $0xffff;
	v11 =	vpop (erf)  }
0xd3: {  	v3 =	vld.idx.msk [tilespmem:v5+s1+$0x0], $0xffff;
	v9 =	vpop (erf);
	v1 =	vmov v13  }
0xd4: {  	v5 =	vld.idx.msk [tilespmem:v10+s1+$0x0], $0xffff;
	v10 =	vpop (erf)  }
0xd5: {  	s19 =	sadd.s32 $0x80, s19;
	v13 =	vmul.f32 v0, v15;
	v0 =	vmov v14;
	v6 =	vld.idx.msk [tilespmem:v12+s1+$0x0], $0xffff;
	v12 =	vpop (erf)  }
0xd6: {  	_ =	sdelay $0x2  }
0xd7: {  	v4 =	vmul.f32 v8, v4  }
0xd8: {  	v7 =	vmul.f32 v11, v7;
	v1 =	vld.idx.msk [tilespmem:v1+s1+$0x0], $0xffff;
	[tilespmem:s16+$0xFFFFFFC0] =	vst v13  }
0xd9: {  	v2 =	vmul.f32 v9, v2;
	[tilespmem:s17+$0xFFFFFFD0] =	vst v4  }
0xda: {  	[tilespmem:s17+$0xFFFFFFE0] =	vst v7;
	v3 =	vmul.f32 v10, v3  }
0xdb: {  	[tilespmem:s17+$0xFFFFFFF0] =	vst v2;
	v2 =	vmul.f32 v12, v5;
	v4 =	vpop (erf)  }
0xdc: {  	[tilespmem:s17+$0x0] =	vst v3;
	v3 =	vmul.f32 v4, v6  }
0xdd: {  	[tilespmem:s17+$0x10] =	vst v2;
	v0 =	vmul.f32 v0, v1  }
0xde: {  	[tilespmem:s17+$0x20] =	vst v3  }
0xdf: {  	[tilespmem:s17+$0xFFFFFFC0] =	vst v0  }
0xe0: {  	s15 =	rddreg [dreg:$0x8]  }
0xe1: {  	[hbm4b:s15+s1] =	stream.linear.scatter [tilespmem:s11], [sflag:$0x4], $0x2800, $0x38;
	[tilespmem:$0xF080] =	vst v63  }
0xe2: {  	s19 =	rddreg [dreg:$0x9]  }
0xe3: {  	[tilespmem:s6], [sflag:$0x2] =	stream.linear.gather [hbm4b:s19+s1], $0x2800, $0x38;
	[tilespmem:$0xF080] =	vst v63  }
0xe4: {  	s16 =	rddreg [dreg:$0xa]  }
0xe5: {  	[tilespmem:s7], [sflag:$0x2] =	stream.linear.gather [hbm4b:s16+s1], $0x2800, $0x38;
	[tilespmem:$0xF080] =	vst v63  }
0xe6: {  	_ =	swait.ge [sflag:s8], $0x2800  }
0xe7: {  	[sflag:s8] =	ssyncset.done $0x0  }
0xe8: {  	[sflag:s8] =	ssyncadd.s32 $0xFFFFD800  }
0xe9: {  	_ =	swait.ge [sflag:s8], $0x2800  }
0xea: {  	[sflag:s8] =	ssyncset.done $0x0  }
0xeb: {  	[sflag:s8] =	ssyncadd.s32 $0xFFFFD800  }
0xec: {  	_ =	swait.ge [sflag:s12], $0x2800  }
0xed: {  	[sflag:s12] =	ssyncset.done $0x0  }
0xee: {  	s17 =	simm.s32 $0xC0;
	[sflag:s12] =	ssyncadd.s32 $0xFFFFD800  }
0xef: {  	v0 =	vld [tilespmem:s17+$0x30]  }
0xf0: {  	v1 =	vld [tilespmem:s17+$0xFFFFFFC0]  }
0xf1: {  	s18 =	simm.s32 $0x50C0;
	v2 =	vld [tilespmem:s17+$0xFFFFFFD0]  }
0xf2: {  	v3 =	vld [tilespmem:s18+$0x30]  }
0xf3: {  	v4 =	vld [tilespmem:s17+$0xFFFFFFE0]  }
0xf4: {  	v5 =	vld [tilespmem:s17+$0xFFFFFFF0]  }
0xf5: {  	v6 =	vld [tilespmem:s17+$0x0]  }
0xf6: {  	v7 =	vld [tilespmem:s17+$0x10]  }
0xf7: {  	v8 =	vld [tilespmem:s17+$0x20]  }
0xf8: {  	v9 =	vld [tilespmem:s18+$0xFFFFFFD0]  }
0xf9: {  	v10 =	vld [tilespmem:s18+$0xFFFFFFE0]  }
0xfa: {  	v11 =	vld [tilespmem:s18+$0xFFFFFFF0]  }
0xfb: {  	v12 =	vld [tilespmem:s18+$0x0]  }
0xfc: {  	v13 =	vld [tilespmem:s18+$0x10]  }
0xfd: {  	v14 =	vld [tilespmem:s18+$0x20]  }
0xfe: {  	s19 =	simm.s32 $0x140;
	v15 =	vld [tilespmem:s18+$0xFFFFFFC0];
	v0 =	vmul.f32 $1.442695020e+00, v0  }
0xff: {  	s15 =	simm.s32 $0x5140;
	v16 =	vld [tilespmem:s19+$0x20];
	v1 =	vmul.f32 $1.442695020e+00, v1  }
0x100: {  	v20 =	vld [tilespmem:s15+$0x0];
	v2 =	vmul.f32 $1.442695020e+00, v2;
	(erf) = vpow2.f32 v0  }
0x101: {  	v0 =	vld [tilespmem:s19+$0x30];
	(erf) = vpow2.f32 v1;
	v1 =	vmul.f32 $1.442695020e+00, v4  }
0x102: {  	v4 =	vld [tilespmem:s19+$0xFFFFFFC0];
	(erf) = vpow2.f32 v2;
	v2 =	vmul.f32 $1.442695020e+00, v5  }
0x103: {  	v6 =	vmul.f32 $1.442695020e+00, v6;
	v5 =	vld [tilespmem:s19+$0xFFFFFFD0];
	(erf) = vpow2.f32 v1  }
0x104: {  	v1 =	vld [tilespmem:s15+$0x30];
	(erf) = vpow2.f32 v2  }
0x105: {  	v7 =	vmul.f32 $1.442695020e+00, v7;
	(erf) = vpow2.f32 v6;
	v6 =	vld [tilespmem:s19+$0xFFFFFFF0]  }
0x106: {  	v2 =	vld [tilespmem:s19+$0xFFFFFFE0];
	v0 =	vmul.f32 $1.442695020e+00, v0  }
0x107: {  	v8 =	vmul.f32 $1.442695020e+00, v8;
	(erf) = vpow2.f32 v7;
	v7 =	vld [tilespmem:s19+$0x0]  }
0x108: {  	v3 =	vld.idx.msk [tilespmem:v3+s1+$0x0], $0xffff;
	v4 =	vmul.f32 $1.442695020e+00, v4  }
0x109: {  	v10 =	vld.idx.msk [tilespmem:v10+s1+$0x0], $0xffff;
	(erf) = vpow2.f32 v8;
	v5 =	vmul.f32 $1.442695020e+00, v5  }
0x10a: {  	v11 =	vld.idx.msk [tilespmem:v11+s1+$0x0], $0xffff;
	(erf) = vpow2.f32 v0;
	v0 =	vpop (erf);
	v6 =	vmul.f32 $1.442695020e+00, v6  }
0x10b: {  	v8 =	vld [tilespmem:s19+$0x10];
	(erf) = vpow2.f32 v4;
	v2 =	vmul.f32 $1.442695020e+00, v2;
	v17 =	vpop (erf)  }
0x10c: {  	v13 =	vld.idx.msk [tilespmem:v13+s1+$0x0], $0xffff;
	(erf) = vpow2.f32 v5;
	v18 =	vpop (erf);
	v7 =	vmul.f32 $1.442695020e+00, v7  }
0x10d: {  	v19 =	vld.idx.msk [tilespmem:v1+s1+$0x0], $0xffff;
	(erf) = vpow2.f32 v2;
	v1 =	vpop (erf)  }
0x10e: {  	v9 =	vld.idx.msk [tilespmem:v9+s1+$0x0], $0xffff;
	v0 =	vmul.f32 v0, v3;
	(erf) = vpow2.f32 v6;
	v6 =	vpop (erf)  }
0x10f: {  	s16 =	simm.s32 $0xA0C0;
	v21 =	vld [tilespmem:s15+$0x10];
	v3 =	vpop (erf);
	v6 =	vmul.f32 v6, v11  }
0x110: {  	v4 =	vld [tilespmem:s15+$0xFFFFFFD0];
	v8 =	vmul.f32 $1.442695020e+00, v8;
	[tilespmem:s16+$0x30] =	vst v0;
	(erf) = vpow2.f32 v7;
	v7 =	vpop (erf)  }
0x111: {  	v5 =	vld [tilespmem:s15+$0xFFFFFFE0];
	v0 =	vmul.f32 v1, v10;
	[tilespmem:s16+$0xFFFFFFF0] =	vst v6;
	v6 =	vmul.f32 v7, v13  }
0x112: {  	v12 =	vld.idx.msk [tilespmem:v12+s1+$0x0], $0xffff;
	(erf) = vpow2.f32 v8  }
0x113: {  	v2 =	vld [tilespmem:s15+$0xFFFFFFF0];
	v8 =	vmul.f32 v18, v9;
	v9 =	vpop (erf);
	[tilespmem:s16+$0x10] =	vst v6;
	v6 =	vmul.f32 $1.442695020e+00, v16  }
0x114: {  	v63 =	vld [tilespmem:s15+$0x20];
	v10 =	vpop (erf)  }
0x115: {  	v14 =	vld.idx.msk [tilespmem:v14+s1+$0x0], $0xffff;
	[tilespmem:s16+$0xFFFFFFE0] =	vst v0;
	v0 =	vpop (erf);
	(erf) = vpow2.f32 v6  }
0x116: {  	v15 =	vld.idx.msk [tilespmem:v15+s1+$0x0], $0xffff  }
0x117: {  	v1 =	vld [tilespmem:s15+$0xFFFFFFC0]  }
0x118: {  	v3 =	vmul.f32 v3, v12;
	v4 =	vld.idx.msk [tilespmem:v4+s1+$0x0], $0xffff  }
0x119: {  	[tilespmem:s16+$0xFFFFFFD0] =	vst v8;
	v7 =	vld.idx.msk [tilespmem:v5+s1+$0x0], $0xffff;
	v12 =	vmul.f32 v10, v19;
	v8 =	vpop (erf)  }
0x11a: {  	[tilespmem:s16+$0x0] =	vst v3;
	v5 =	vmul.f32 v9, v14;
	v3 =	vld.idx.msk [tilespmem:v20+s1+$0x0], $0xffff;
	v11 =	vpop (erf)  }
0x11b: {  	v2 =	vld.idx.msk [tilespmem:v2+s1+$0x0], $0xffff;
	v9 =	vpop (erf)  }
0x11c: {  	s17 =	simm.s32 $0xA140;
	[tilespmem:s16+$0x20] =	vst v5;
	v5 =	vld.idx.msk [tilespmem:v21+s1+$0x0], $0xffff;
	v10 =	vpop (erf)  }
0x11d: {  	s18 =	simm.s32 $0x8;
	s19 =	simm.s32 $0x1C0;
	v13 =	vmul.f32 v17, v15;
	[tilespmem:s17+$0x30] =	vst v12;
	v6 =	vld.idx.msk [tilespmem:v63+s1+$0x0], $0xffff;
	v12 =	vpop (erf)  }
.LBB2_6:
0x11e: {  	v14 =	vld [tilespmem:s19+$0x30];
	s18 =	sadd.s32 $0x8, s18;
	v4 =	vmul.f32 v8, v4;
	v8 =	vpop (erf)  }
0x11f: {  	v7 =	vmul.f32 v11, v7;
	v15 =	vld [tilespmem:s19+$0xFFFFFFC0];
	p0 =	slt.u32 s18, $0x278;
	[tilespmem:s16+$0xFFFFFFC0] =	vst v13;
	s16 =	smov.u32 s17  }
0x120: {  	s15 =	sadd.s32 $0x80, s15;
	v2 =	vmul.f32 v9, v2;
	v11 =	vld [tilespmem:s19+$0xFFFFFFD0];
	[tilespmem:s17+$0xFFFFFFD0] =	vst v4  }
0x121: {  	v3 =	vmul.f32 v10, v3;
	v4 =	vld [tilespmem:s15+$0x30];
	[tilespmem:s17+$0xFFFFFFE0] =	vst v7  }
0x122: {  	v7 =	vld [tilespmem:s19+$0xFFFFFFE0];
	[tilespmem:s17+$0xFFFFFFF0] =	vst v2;
	v2 =	vmul.f32 v12, v5  }
0x123: {  	v5 =	vld [tilespmem:s19+$0xFFFFFFF0];
	v9 =	vmul.f32 $1.442695020e+00, v14;
	[tilespmem:s17+$0x0] =	vst v3;
	v3 =	vmul.f32 v8, v6  }
0x124: {  	v6 =	vmul.f32 $1.442695020e+00, v15;
	v8 =	vld [tilespmem:s19+$0x0];
	[tilespmem:s17+$0x10] =	vst v2  }
0x125: {  	v2 =	vmul.f32 $1.442695020e+00, v11;
	v10 =	vld [tilespmem:s19+$0x10];
	(erf) = vpow2.f32 v9;
	[tilespmem:s17+$0x20] =	vst v3  }
0x126: {  	v3 =	vld [tilespmem:s19+$0x20];
	(erf) = vpow2.f32 v6  }
0x127: {  	v6 =	vld [tilespmem:s15+$0xFFFFFFD0];
	v7 =	vmul.f32 $1.442695020e+00, v7;
	(erf) = vpow2.f32 v2  }
0x128: {  	v2 =	vld [tilespmem:s15+$0xFFFFFFE0];
	v5 =	vmul.f32 $1.442695020e+00, v5  }
0x129: {  	v8 =	vmul.f32 $1.442695020e+00, v8;
	v4 =	vld.idx.msk [tilespmem:v4+s1+$0x0], $0xffff;
	(erf) = vpow2.f32 v7  }
0x12a: {  	v9 =	vld [tilespmem:s15+$0xFFFFFFF0];
	v7 =	vmul.f32 $1.442695020e+00, v10;
	(erf) = vpow2.f32 v5  }
0x12b: {  	v5 =	vld [tilespmem:s15+$0x0];
	v11 =	vmul.f32 $1.442695020e+00, v3;
	(erf) = vpow2.f32 v8  }
0x12c: {  	v10 =	vld [tilespmem:s15+$0x10];
	(erf) = vpow2.f32 v7  }
0x12d: {  	v12 =	vld [tilespmem:s15+$0x20];
	(erf) = vpow2.f32 v11  }
0x12e: {  	v13 =	vld [tilespmem:s15+$0xFFFFFFC0];
	v3 =	vpop (erf)  }
0x12f: {  	v3 =	vmul.f32 v3, v4;
	v14 =	vpop (erf);
	v15 =	vld.idx.msk [tilespmem:v1+s1+$0x0], $0xffff  }
0x130: {  	s17 =	sadd.s32 $0x80, s17;
	v4 =	vld.idx.msk [tilespmem:v6+s1+$0x0], $0xffff;
	v8 =	vpop (erf)  }
.Ltmp2:
0x131: {  	v7 =	vld.idx.msk [tilespmem:v2+s1+$0x0], $0xffff;
	[tilespmem:s17+$0x30] =	vst v3;
	(pc) =	sbr.rel @p0 .LBB2_6-.Ltmp2, $4  }
0x132: {  	v2 =	vld.idx.msk [tilespmem:v9+s1+$0x0], $0xffff;
	v11 =	vpop (erf)  }
0x133: {  	v3 =	vld.idx.msk [tilespmem:v5+s1+$0x0], $0xffff;
	v9 =	vpop (erf);
	v1 =	vmov v13  }
0x134: {  	v5 =	vld.idx.msk [tilespmem:v10+s1+$0x0], $0xffff;
	v10 =	vpop (erf)  }
0x135: {  	s19 =	sadd.s32 $0x80, s19;
	v13 =	vmul.f32 v0, v15;
	v0 =	vmov v14;
	v6 =	vld.idx.msk [tilespmem:v12+s1+$0x0], $0xffff;
	v12 =	vpop (erf)  }
0x136: {  	_ =	sdelay $0x2  }
0x137: {  	v4 =	vmul.f32 v8, v4  }
0x138: {  	v7 =	vmul.f32 v11, v7;
	v1 =	vld.idx.msk [tilespmem:v1+s1+$0x0], $0xffff;
	[tilespmem:s16+$0xFFFFFFC0] =	vst v13  }
0x139: {  	v2 =	vmul.f32 v9, v2;
	[tilespmem:s17+$0xFFFFFFD0] =	vst v4  }
0x13a: {  	[tilespmem:s17+$0xFFFFFFE0] =	vst v7;
	v3 =	vmul.f32 v10, v3  }
0x13b: {  	[tilespmem:s17+$0xFFFFFFF0] =	vst v2;
	v2 =	vmul.f32 v12, v5;
	v4 =	vpop (erf)  }
0x13c: {  	[tilespmem:s17+$0x0] =	vst v3;
	v3 =	vmul.f32 v4, v6  }
0x13d: {  	[tilespmem:s17+$0x10] =	vst v2;
	v0 =	vmul.f32 v0, v1  }
0x13e: {  	[tilespmem:s17+$0x20] =	vst v3  }
0x13f: {  	[tilespmem:s17+$0xFFFFFFC0] =	vst v0  }
0x140: {  	s15 =	rddreg [dreg:$0xb]  }
0x141: {  	[hbm4b:s15+s1] =	stream.linear.scatter [tilespmem:s9], [sflag:$0x3], $0x2800, $0x38;
	[tilespmem:$0xF080] =	vst v63  }
0x142: {  	s19 =	rddreg [dreg:$0xc]  }
0x143: {  	[tilespmem:s4], [sflag:$0x1] =	stream.linear.gather [hbm4b:s19+s1], $0x2800, $0x38;
	[tilespmem:$0xF080] =	vst v63  }
0x144: {  	s16 =	rddreg [dreg:$0xd]  }
0x145: {  	[tilespmem:s5], [sflag:$0x1] =	stream.linear.gather [hbm4b:s16+s1], $0x2800, $0x38;
	[tilespmem:$0xF080] =	vst v63  }
0x146: {  	_ =	swait.ge [sflag:s10], $0x2800  }
0x147: {  	[sflag:s10] =	ssyncset.done $0x0  }
0x148: {  	[sflag:s10] =	ssyncadd.s32 $0xFFFFD800  }
0x149: {  	_ =	swait.ge [sflag:s10], $0x2800  }
0x14a: {  	[sflag:s10] =	ssyncset.done $0x0  }
0x14b: {  	[sflag:s10] =	ssyncadd.s32 $0xFFFFD800  }
0x14c: {  	_ =	swait.ge [sflag:s13], $0x2800  }
0x14d: {  	[sflag:s13] =	ssyncset.done $0x0  }
0x14e: {  	s17 =	simm.s32 $0x28C0;
	[sflag:s13] =	ssyncadd.s32 $0xFFFFD800  }
0x14f: {  	v0 =	vld [tilespmem:s17+$0x30]  }
0x150: {  	v1 =	vld [tilespmem:s17+$0xFFFFFFC0]  }
0x151: {  	s18 =	simm.s32 $0x78C0;
	v2 =	vld [tilespmem:s17+$0xFFFFFFD0]  }
0x152: {  	v3 =	vld [tilespmem:s18+$0x30]  }
0x153: {  	v4 =	vld [tilespmem:s17+$0xFFFFFFE0]  }
0x154: {  	v5 =	vld [tilespmem:s17+$0xFFFFFFF0]  }
0x155: {  	v6 =	vld [tilespmem:s17+$0x0]  }
0x156: {  	v7 =	vld [tilespmem:s17+$0x10]  }
0x157: {  	v8 =	vld [tilespmem:s17+$0x20]  }
0x158: {  	v9 =	vld [tilespmem:s18+$0xFFFFFFD0]  }
0x159: {  	v10 =	vld [tilespmem:s18+$0xFFFFFFE0]  }
0x15a: {  	v11 =	vld [tilespmem:s18+$0xFFFFFFF0]  }
0x15b: {  	v12 =	vld [tilespmem:s18+$0x0]  }
0x15c: {  	v13 =	vld [tilespmem:s18+$0x10]  }
0x15d: {  	v14 =	vld [tilespmem:s18+$0x20]  }
0x15e: {  	s19 =	simm.s32 $0x2940;
	v15 =	vld [tilespmem:s18+$0xFFFFFFC0];
	v0 =	vmul.f32 $1.442695020e+00, v0  }
0x15f: {  	s15 =	simm.s32 $0x7940;
	v16 =	vld [tilespmem:s19+$0x20];
	v1 =	vmul.f32 $1.442695020e+00, v1  }
0x160: {  	v20 =	vld [tilespmem:s15+$0x0];
	v2 =	vmul.f32 $1.442695020e+00, v2;
	(erf) = vpow2.f32 v0  }
0x161: {  	v0 =	vld [tilespmem:s19+$0x30];
	(erf) = vpow2.f32 v1;
	v1 =	vmul.f32 $1.442695020e+00, v4  }
0x162: {  	v4 =	vld [tilespmem:s19+$0xFFFFFFC0];
	(erf) = vpow2.f32 v2;
	v2 =	vmul.f32 $1.442695020e+00, v5  }
0x163: {  	v6 =	vmul.f32 $1.442695020e+00, v6;
	v5 =	vld [tilespmem:s19+$0xFFFFFFD0];
	(erf) = vpow2.f32 v1  }
0x164: {  	v1 =	vld [tilespmem:s15+$0x30];
	(erf) = vpow2.f32 v2  }
0x165: {  	v7 =	vmul.f32 $1.442695020e+00, v7;
	(erf) = vpow2.f32 v6;
	v6 =	vld [tilespmem:s19+$0xFFFFFFF0]  }
0x166: {  	v2 =	vld [tilespmem:s19+$0xFFFFFFE0];
	v0 =	vmul.f32 $1.442695020e+00, v0  }
0x167: {  	v8 =	vmul.f32 $1.442695020e+00, v8;
	(erf) = vpow2.f32 v7;
	v7 =	vld [tilespmem:s19+$0x0]  }
0x168: {  	v3 =	vld.idx.msk [tilespmem:v3+s1+$0x0], $0xffff;
	v4 =	vmul.f32 $1.442695020e+00, v4  }
0x169: {  	v10 =	vld.idx.msk [tilespmem:v10+s1+$0x0], $0xffff;
	(erf) = vpow2.f32 v8;
	v5 =	vmul.f32 $1.442695020e+00, v5  }
0x16a: {  	v11 =	vld.idx.msk [tilespmem:v11+s1+$0x0], $0xffff;
	(erf) = vpow2.f32 v0;
	v0 =	vpop (erf);
	v6 =	vmul.f32 $1.442695020e+00, v6  }
0x16b: {  	v8 =	vld [tilespmem:s19+$0x10];
	(erf) = vpow2.f32 v4;
	v2 =	vmul.f32 $1.442695020e+00, v2;
	v17 =	vpop (erf)  }
0x16c: {  	v13 =	vld.idx.msk [tilespmem:v13+s1+$0x0], $0xffff;
	(erf) = vpow2.f32 v5;
	v18 =	vpop (erf);
	v7 =	vmul.f32 $1.442695020e+00, v7  }
0x16d: {  	v19 =	vld.idx.msk [tilespmem:v1+s1+$0x0], $0xffff;
	(erf) = vpow2.f32 v2;
	v1 =	vpop (erf)  }
0x16e: {  	v9 =	vld.idx.msk [tilespmem:v9+s1+$0x0], $0xffff;
	v0 =	vmul.f32 v0, v3;
	(erf) = vpow2.f32 v6;
	v6 =	vpop (erf)  }
0x16f: {  	s16 =	simm.s32 $0xC8C0;
	v21 =	vld [tilespmem:s15+$0x10];
	v3 =	vpop (erf);
	v6 =	vmul.f32 v6, v11  }
0x170: {  	v4 =	vld [tilespmem:s15+$0xFFFFFFD0];
	v8 =	vmul.f32 $1.442695020e+00, v8;
	[tilespmem:s16+$0x30] =	vst v0;
	(erf) = vpow2.f32 v7;
	v7 =	vpop (erf)  }
0x171: {  	v5 =	vld [tilespmem:s15+$0xFFFFFFE0];
	v0 =	vmul.f32 v1, v10;
	[tilespmem:s16+$0xFFFFFFF0] =	vst v6;
	v6 =	vmul.f32 v7, v13  }
0x172: {  	v12 =	vld.idx.msk [tilespmem:v12+s1+$0x0], $0xffff;
	(erf) = vpow2.f32 v8  }
0x173: {  	v2 =	vld [tilespmem:s15+$0xFFFFFFF0];
	v8 =	vmul.f32 v18, v9;
	v9 =	vpop (erf);
	[tilespmem:s16+$0x10] =	vst v6;
	v6 =	vmul.f32 $1.442695020e+00, v16  }
0x174: {  	v63 =	vld [tilespmem:s15+$0x20];
	v10 =	vpop (erf)  }
0x175: {  	v14 =	vld.idx.msk [tilespmem:v14+s1+$0x0], $0xffff;
	[tilespmem:s16+$0xFFFFFFE0] =	vst v0;
	v0 =	vpop (erf);
	(erf) = vpow2.f32 v6  }
0x176: {  	v15 =	vld.idx.msk [tilespmem:v15+s1+$0x0], $0xffff  }
0x177: {  	v1 =	vld [tilespmem:s15+$0xFFFFFFC0]  }
0x178: {  	v3 =	vmul.f32 v3, v12;
	v4 =	vld.idx.msk [tilespmem:v4+s1+$0x0], $0xffff  }
0x179: {  	[tilespmem:s16+$0xFFFFFFD0] =	vst v8;
	v7 =	vld.idx.msk [tilespmem:v5+s1+$0x0], $0xffff;
	v12 =	vmul.f32 v10, v19;
	v8 =	vpop (erf)  }
0x17a: {  	[tilespmem:s16+$0x0] =	vst v3;
	v5 =	vmul.f32 v9, v14;
	v3 =	vld.idx.msk [tilespmem:v20+s1+$0x0], $0xffff;
	v11 =	vpop (erf)  }
0x17b: {  	v2 =	vld.idx.msk [tilespmem:v2+s1+$0x0], $0xffff;
	v9 =	vpop (erf)  }
0x17c: {  	s17 =	simm.s32 $0xC940;
	[tilespmem:s16+$0x20] =	vst v5;
	v5 =	vld.idx.msk [tilespmem:v21+s1+$0x0], $0xffff;
	v10 =	vpop (erf)  }
0x17d: {  	s18 =	simm.s32 $0x8;
	s19 =	simm.s32 $0x29C0;
	v13 =	vmul.f32 v17, v15;
	[tilespmem:s17+$0x30] =	vst v12;
	v6 =	vld.idx.msk [tilespmem:v63+s1+$0x0], $0xffff;
	v12 =	vpop (erf)  }
.LBB2_8:
0x17e: {  	v14 =	vld [tilespmem:s19+$0x30];
	s18 =	sadd.s32 $0x8, s18;
	v4 =	vmul.f32 v8, v4;
	v8 =	vpop (erf)  }
0x17f: {  	v7 =	vmul.f32 v11, v7;
	v15 =	vld [tilespmem:s19+$0xFFFFFFC0];
	p0 =	slt.u32 s18, $0x278;
	[tilespmem:s16+$0xFFFFFFC0] =	vst v13;
	s16 =	smov.u32 s17  }
0x180: {  	s15 =	sadd.s32 $0x80, s15;
	v2 =	vmul.f32 v9, v2;
	v11 =	vld [tilespmem:s19+$0xFFFFFFD0];
	[tilespmem:s17+$0xFFFFFFD0] =	vst v4  }
0x181: {  	v3 =	vmul.f32 v10, v3;
	v4 =	vld [tilespmem:s15+$0x30];
	[tilespmem:s17+$0xFFFFFFE0] =	vst v7  }
0x182: {  	v7 =	vld [tilespmem:s19+$0xFFFFFFE0];
	[tilespmem:s17+$0xFFFFFFF0] =	vst v2;
	v2 =	vmul.f32 v12, v5  }
0x183: {  	v5 =	vld [tilespmem:s19+$0xFFFFFFF0];
	v9 =	vmul.f32 $1.442695020e+00, v14;
	[tilespmem:s17+$0x0] =	vst v3;
	v3 =	vmul.f32 v8, v6  }
0x184: {  	v6 =	vmul.f32 $1.442695020e+00, v15;
	v8 =	vld [tilespmem:s19+$0x0];
	[tilespmem:s17+$0x10] =	vst v2  }
0x185: {  	v2 =	vmul.f32 $1.442695020e+00, v11;
	v10 =	vld [tilespmem:s19+$0x10];
	(erf) = vpow2.f32 v9;
	[tilespmem:s17+$0x20] =	vst v3  }
0x186: {  	v3 =	vld [tilespmem:s19+$0x20];
	(erf) = vpow2.f32 v6  }
0x187: {  	v6 =	vld [tilespmem:s15+$0xFFFFFFD0];
	v7 =	vmul.f32 $1.442695020e+00, v7;
	(erf) = vpow2.f32 v2  }
0x188: {  	v2 =	vld [tilespmem:s15+$0xFFFFFFE0];
	v5 =	vmul.f32 $1.442695020e+00, v5  }
0x189: {  	v8 =	vmul.f32 $1.442695020e+00, v8;
	v4 =	vld.idx.msk [tilespmem:v4+s1+$0x0], $0xffff;
	(erf) = vpow2.f32 v7  }
0x18a: {  	v9 =	vld [tilespmem:s15+$0xFFFFFFF0];
	v7 =	vmul.f32 $1.442695020e+00, v10;
	(erf) = vpow2.f32 v5  }
0x18b: {  	v5 =	vld [tilespmem:s15+$0x0];
	v11 =	vmul.f32 $1.442695020e+00, v3;
	(erf) = vpow2.f32 v8  }
0x18c: {  	v10 =	vld [tilespmem:s15+$0x10];
	(erf) = vpow2.f32 v7  }
0x18d: {  	v12 =	vld [tilespmem:s15+$0x20];
	(erf) = vpow2.f32 v11  }
0x18e: {  	v13 =	vld [tilespmem:s15+$0xFFFFFFC0];
	v3 =	vpop (erf)  }
0x18f: {  	v3 =	vmul.f32 v3, v4;
	v14 =	vpop (erf);
	v15 =	vld.idx.msk [tilespmem:v1+s1+$0x0], $0xffff  }
0x190: {  	s17 =	sadd.s32 $0x80, s17;
	v4 =	vld.idx.msk [tilespmem:v6+s1+$0x0], $0xffff;
	v8 =	vpop (erf)  }
.Ltmp3:
0x191: {  	v7 =	vld.idx.msk [tilespmem:v2+s1+$0x0], $0xffff;
	[tilespmem:s17+$0x30] =	vst v3;
	(pc) =	sbr.rel @p0 .LBB2_8-.Ltmp3, $4  }
0x192: {  	v2 =	vld.idx.msk [tilespmem:v9+s1+$0x0], $0xffff;
	v11 =	vpop (erf)  }
0x193: {  	v3 =	vld.idx.msk [tilespmem:v5+s1+$0x0], $0xffff;
	v9 =	vpop (erf);
	v1 =	vmov v13  }
0x194: {  	v5 =	vld.idx.msk [tilespmem:v10+s1+$0x0], $0xffff;
	v10 =	vpop (erf)  }
0x195: {  	s19 =	sadd.s32 $0x80, s19;
	v13 =	vmul.f32 v0, v15;
	v0 =	vmov v14;
	v6 =	vld.idx.msk [tilespmem:v12+s1+$0x0], $0xffff;
	v12 =	vpop (erf)  }
0x196: {  	_ =	sdelay $0x2  }
0x197: {  	v4 =	vmul.f32 v8, v4  }
0x198: {  	v7 =	vmul.f32 v11, v7;
	v1 =	vld.idx.msk [tilespmem:v1+s1+$0x0], $0xffff;
	[tilespmem:s16+$0xFFFFFFC0] =	vst v13  }
0x199: {  	v2 =	vmul.f32 v9, v2;
	[tilespmem:s17+$0xFFFFFFD0] =	vst v4  }
0x19a: {  	[tilespmem:s17+$0xFFFFFFE0] =	vst v7;
	v3 =	vmul.f32 v10, v3  }
0x19b: {  	[tilespmem:s17+$0xFFFFFFF0] =	vst v2;
	v2 =	vmul.f32 v12, v5;
	v4 =	vpop (erf)  }
0x19c: {  	[tilespmem:s17+$0x0] =	vst v3;
	v3 =	vmul.f32 v4, v6  }
0x19d: {  	[tilespmem:s17+$0x10] =	vst v2;
	v0 =	vmul.f32 v0, v1  }
0x19e: {  	[tilespmem:s17+$0x20] =	vst v3  }
0x19f: {  	[tilespmem:s17+$0xFFFFFFC0] =	vst v0  }
0x1a0: {  	s15 =	rddreg [dreg:$0xe]  }
0x1a1: {  	[hbm4b:s15+s1] =	stream.linear.scatter [tilespmem:s11], [sflag:$0x4], $0x2800, $0x38;
	[tilespmem:$0xF080] =	vst v63  }
0x1a2: {  	s19 =	rddreg [dreg:$0xf]  }
0x1a3: {  	[tilespmem:s6], [sflag:$0x2] =	stream.linear.gather [hbm4b:s19+s1], $0x2800, $0x38;
	[tilespmem:$0xF080] =	vst v63  }
0x1a4: {  	s16 =	rddreg [dreg:$0x10]  }
0x1a5: {  	[tilespmem:s7], [sflag:$0x2] =	stream.linear.gather [hbm4b:s16+s1], $0x2800, $0x38;
	[tilespmem:$0xF080] =	vst v63  }
0x1a6: {  	_ =	swait.ge [sflag:s8], $0x2800  }
0x1a7: {  	[sflag:s8] =	ssyncset.done $0x0  }
0x1a8: {  	[sflag:s8] =	ssyncadd.s32 $0xFFFFD800  }
0x1a9: {  	_ =	swait.ge [sflag:s8], $0x2800  }
0x1aa: {  	[sflag:s8] =	ssyncset.done $0x0  }
0x1ab: {  	[sflag:s8] =	ssyncadd.s32 $0xFFFFD800  }
0x1ac: {  	_ =	swait.ge [sflag:s12], $0x2800  }
0x1ad: {  	[sflag:s12] =	ssyncset.done $0x0  }
0x1ae: {  	s17 =	simm.s32 $0xC0;
	[sflag:s12] =	ssyncadd.s32 $0xFFFFD800  }
0x1af: {  	v0 =	vld [tilespmem:s17+$0x30]  }
0x1b0: {  	v1 =	vld [tilespmem:s17+$0xFFFFFFC0]  }
0x1b1: {  	s18 =	simm.s32 $0x50C0;
	v2 =	vld [tilespmem:s17+$0xFFFFFFD0]  }
0x1b2: {  	v3 =	vld [tilespmem:s18+$0x30]  }
0x1b3: {  	v4 =	vld [tilespmem:s17+$0xFFFFFFE0]  }
0x1b4: {  	v5 =	vld [tilespmem:s17+$0xFFFFFFF0]  }
0x1b5: {  	v6 =	vld [tilespmem:s17+$0x0]  }
0x1b6: {  	v7 =	vld [tilespmem:s17+$0x10]  }
0x1b7: {  	v8 =	vld [tilespmem:s17+$0x20]  }
0x1b8: {  	v9 =	vld [tilespmem:s18+$0xFFFFFFD0]  }
0x1b9: {  	v10 =	vld [tilespmem:s18+$0xFFFFFFE0]  }
0x1ba: {  	v11 =	vld [tilespmem:s18+$0xFFFFFFF0]  }
0x1bb: {  	v12 =	vld [tilespmem:s18+$0x0]  }
0x1bc: {  	v13 =	vld [tilespmem:s18+$0x10]  }
0x1bd: {  	v14 =	vld [tilespmem:s18+$0x20]  }
0x1be: {  	s19 =	simm.s32 $0x140;
	v15 =	vld [tilespmem:s18+$0xFFFFFFC0];
	v0 =	vmul.f32 $1.442695020e+00, v0  }
0x1bf: {  	s15 =	simm.s32 $0x5140;
	v16 =	vld [tilespmem:s19+$0x20];
	v1 =	vmul.f32 $1.442695020e+00, v1  }
0x1c0: {  	v20 =	vld [tilespmem:s15+$0x0];
	v2 =	vmul.f32 $1.442695020e+00, v2;
	(erf) = vpow2.f32 v0  }
0x1c1: {  	v0 =	vld [tilespmem:s19+$0x30];
	(erf) = vpow2.f32 v1;
	v1 =	vmul.f32 $1.442695020e+00, v4  }
0x1c2: {  	v4 =	vld [tilespmem:s19+$0xFFFFFFC0];
	(erf) = vpow2.f32 v2;
	v2 =	vmul.f32 $1.442695020e+00, v5  }
0x1c3: {  	v6 =	vmul.f32 $1.442695020e+00, v6;
	v5 =	vld [tilespmem:s19+$0xFFFFFFD0];
	(erf) = vpow2.f32 v1  }
0x1c4: {  	v1 =	vld [tilespmem:s15+$0x30];
	(erf) = vpow2.f32 v2  }
0x1c5: {  	v7 =	vmul.f32 $1.442695020e+00, v7;
	(erf) = vpow2.f32 v6;
	v6 =	vld [tilespmem:s19+$0xFFFFFFF0]  }
0x1c6: {  	v2 =	vld [tilespmem:s19+$0xFFFFFFE0];
	v0 =	vmul.f32 $1.442695020e+00, v0  }
0x1c7: {  	v8 =	vmul.f32 $1.442695020e+00, v8;
	(erf) = vpow2.f32 v7;
	v7 =	vld [tilespmem:s19+$0x0]  }
0x1c8: {  	v3 =	vld.idx.msk [tilespmem:v3+s1+$0x0], $0xffff;
	v4 =	vmul.f32 $1.442695020e+00, v4  }
0x1c9: {  	v10 =	vld.idx.msk [tilespmem:v10+s1+$0x0], $0xffff;
	(erf) = vpow2.f32 v8;
	v5 =	vmul.f32 $1.442695020e+00, v5  }
0x1ca: {  	v11 =	vld.idx.msk [tilespmem:v11+s1+$0x0], $0xffff;
	(erf) = vpow2.f32 v0;
	v0 =	vpop (erf);
	v6 =	vmul.f32 $1.442695020e+00, v6  }
0x1cb: {  	v8 =	vld [tilespmem:s19+$0x10];
	(erf) = vpow2.f32 v4;
	v2 =	vmul.f32 $1.442695020e+00, v2;
	v17 =	vpop (erf)  }
0x1cc: {  	v13 =	vld.idx.msk [tilespmem:v13+s1+$0x0], $0xffff;
	(erf) = vpow2.f32 v5;
	v18 =	vpop (erf);
	v7 =	vmul.f32 $1.442695020e+00, v7  }
0x1cd: {  	v19 =	vld.idx.msk [tilespmem:v1+s1+$0x0], $0xffff;
	(erf) = vpow2.f32 v2;
	v1 =	vpop (erf)  }
0x1ce: {  	v9 =	vld.idx.msk [tilespmem:v9+s1+$0x0], $0xffff;
	v0 =	vmul.f32 v0, v3;
	(erf) = vpow2.f32 v6;
	v6 =	vpop (erf)  }
0x1cf: {  	s16 =	simm.s32 $0xA0C0;
	v21 =	vld [tilespmem:s15+$0x10];
	v3 =	vpop (erf);
	v6 =	vmul.f32 v6, v11  }
0x1d0: {  	v4 =	vld [tilespmem:s15+$0xFFFFFFD0];
	v8 =	vmul.f32 $1.442695020e+00, v8;
	[tilespmem:s16+$0x30] =	vst v0;
	(erf) = vpow2.f32 v7;
	v7 =	vpop (erf)  }
0x1d1: {  	v5 =	vld [tilespmem:s15+$0xFFFFFFE0];
	v0 =	vmul.f32 v1, v10;
	[tilespmem:s16+$0xFFFFFFF0] =	vst v6;
	v6 =	vmul.f32 v7, v13  }
0x1d2: {  	v12 =	vld.idx.msk [tilespmem:v12+s1+$0x0], $0xffff;
	(erf) = vpow2.f32 v8  }
0x1d3: {  	v2 =	vld [tilespmem:s15+$0xFFFFFFF0];
	v8 =	vmul.f32 v18, v9;
	v9 =	vpop (erf);
	[tilespmem:s16+$0x10] =	vst v6;
	v6 =	vmul.f32 $1.442695020e+00, v16  }
0x1d4: {  	v63 =	vld [tilespmem:s15+$0x20];
	v10 =	vpop (erf)  }
0x1d5: {  	v14 =	vld.idx.msk [tilespmem:v14+s1+$0x0], $0xffff;
	[tilespmem:s16+$0xFFFFFFE0] =	vst v0;
	v0 =	vpop (erf);
	(erf) = vpow2.f32 v6  }
0x1d6: {  	v15 =	vld.idx.msk [tilespmem:v15+s1+$0x0], $0xffff  }
0x1d7: {  	v1 =	vld [tilespmem:s15+$0xFFFFFFC0]  }
0x1d8: {  	v3 =	vmul.f32 v3, v12;
	v4 =	vld.idx.msk [tilespmem:v4+s1+$0x0], $0xffff  }
0x1d9: {  	[tilespmem:s16+$0xFFFFFFD0] =	vst v8;
	v7 =	vld.idx.msk [tilespmem:v5+s1+$0x0], $0xffff;
	v12 =	vmul.f32 v10, v19;
	v8 =	vpop (erf)  }
0x1da: {  	[tilespmem:s16+$0x0] =	vst v3;
	v5 =	vmul.f32 v9, v14;
	v3 =	vld.idx.msk [tilespmem:v20+s1+$0x0], $0xffff;
	v11 =	vpop (erf)  }
0x1db: {  	v2 =	vld.idx.msk [tilespmem:v2+s1+$0x0], $0xffff;
	v9 =	vpop (erf)  }
0x1dc: {  	s17 =	simm.s32 $0xA140;
	[tilespmem:s16+$0x20] =	vst v5;
	v5 =	vld.idx.msk [tilespmem:v21+s1+$0x0], $0xffff;
	v10 =	vpop (erf)  }
0x1dd: {  	s18 =	simm.s32 $0x8;
	s19 =	simm.s32 $0x1C0;
	v13 =	vmul.f32 v17, v15;
	[tilespmem:s17+$0x30] =	vst v12;
	v6 =	vld.idx.msk [tilespmem:v63+s1+$0x0], $0xffff;
	v12 =	vpop (erf)  }
.LBB2_10:
0x1de: {  	v14 =	vld [tilespmem:s19+$0x30];
	s18 =	sadd.s32 $0x8, s18;
	v4 =	vmul.f32 v8, v4;
	v8 =	vpop (erf)  }
0x1df: {  	v7 =	vmul.f32 v11, v7;
	v15 =	vld [tilespmem:s19+$0xFFFFFFC0];
	p0 =	slt.u32 s18, $0x278;
	[tilespmem:s16+$0xFFFFFFC0] =	vst v13;
	s16 =	smov.u32 s17  }
0x1e0: {  	s15 =	sadd.s32 $0x80, s15;
	v2 =	vmul.f32 v9, v2;
	v11 =	vld [tilespmem:s19+$0xFFFFFFD0];
	[tilespmem:s17+$0xFFFFFFD0] =	vst v4  }
0x1e1: {  	v3 =	vmul.f32 v10, v3;
	v4 =	vld [tilespmem:s15+$0x30];
	[tilespmem:s17+$0xFFFFFFE0] =	vst v7  }
0x1e2: {  	v7 =	vld [tilespmem:s19+$0xFFFFFFE0];
	[tilespmem:s17+$0xFFFFFFF0] =	vst v2;
	v2 =	vmul.f32 v12, v5  }
0x1e3: {  	v5 =	vld [tilespmem:s19+$0xFFFFFFF0];
	v9 =	vmul.f32 $1.442695020e+00, v14;
	[tilespmem:s17+$0x0] =	vst v3;
	v3 =	vmul.f32 v8, v6  }
0x1e4: {  	v6 =	vmul.f32 $1.442695020e+00, v15;
	v8 =	vld [tilespmem:s19+$0x0];
	[tilespmem:s17+$0x10] =	vst v2  }
0x1e5: {  	v2 =	vmul.f32 $1.442695020e+00, v11;
	v10 =	vld [tilespmem:s19+$0x10];
	(erf) = vpow2.f32 v9;
	[tilespmem:s17+$0x20] =	vst v3  }
0x1e6: {  	v3 =	vld [tilespmem:s19+$0x20];
	(erf) = vpow2.f32 v6  }
0x1e7: {  	v6 =	vld [tilespmem:s15+$0xFFFFFFD0];
	v7 =	vmul.f32 $1.442695020e+00, v7;
	(erf) = vpow2.f32 v2  }
0x1e8: {  	v2 =	vld [tilespmem:s15+$0xFFFFFFE0];
	v5 =	vmul.f32 $1.442695020e+00, v5  }
0x1e9: {  	v8 =	vmul.f32 $1.442695020e+00, v8;
	v4 =	vld.idx.msk [tilespmem:v4+s1+$0x0], $0xffff;
	(erf) = vpow2.f32 v7  }
0x1ea: {  	v9 =	vld [tilespmem:s15+$0xFFFFFFF0];
	v7 =	vmul.f32 $1.442695020e+00, v10;
	(erf) = vpow2.f32 v5  }
0x1eb: {  	v5 =	vld [tilespmem:s15+$0x0];
	v11 =	vmul.f32 $1.442695020e+00, v3;
	(erf) = vpow2.f32 v8  }
0x1ec: {  	v10 =	vld [tilespmem:s15+$0x10];
	(erf) = vpow2.f32 v7  }
0x1ed: {  	v12 =	vld [tilespmem:s15+$0x20];
	(erf) = vpow2.f32 v11  }
0x1ee: {  	v13 =	vld [tilespmem:s15+$0xFFFFFFC0];
	v3 =	vpop (erf)  }
0x1ef: {  	v3 =	vmul.f32 v3, v4;
	v14 =	vpop (erf);
	v15 =	vld.idx.msk [tilespmem:v1+s1+$0x0], $0xffff  }
0x1f0: {  	s17 =	sadd.s32 $0x80, s17;
	v4 =	vld.idx.msk [tilespmem:v6+s1+$0x0], $0xffff;
	v8 =	vpop (erf)  }
.Ltmp4:
0x1f1: {  	v7 =	vld.idx.msk [tilespmem:v2+s1+$0x0], $0xffff;
	[tilespmem:s17+$0x30] =	vst v3;
	(pc) =	sbr.rel @p0 .LBB2_10-.Ltmp4, $4  }
0x1f2: {  	v2 =	vld.idx.msk [tilespmem:v9+s1+$0x0], $0xffff;
	v11 =	vpop (erf)  }
0x1f3: {  	v3 =	vld.idx.msk [tilespmem:v5+s1+$0x0], $0xffff;
	v9 =	vpop (erf);
	v1 =	vmov v13  }
0x1f4: {  	v5 =	vld.idx.msk [tilespmem:v10+s1+$0x0], $0xffff;
	v10 =	vpop (erf)  }
0x1f5: {  	s19 =	sadd.s32 $0x80, s19;
	v13 =	vmul.f32 v0, v15;
	v0 =	vmov v14;
	v6 =	vld.idx.msk [tilespmem:v12+s1+$0x0], $0xffff;
	v12 =	vpop (erf)  }
0x1f6: {  	_ =	sdelay $0x2  }
0x1f7: {  	v4 =	vmul.f32 v8, v4  }
0x1f8: {  	v7 =	vmul.f32 v11, v7;
	v1 =	vld.idx.msk [tilespmem:v1+s1+$0x0], $0xffff;
	[tilespmem:s16+$0xFFFFFFC0] =	vst v13  }
0x1f9: {  	v2 =	vmul.f32 v9, v2;
	[tilespmem:s17+$0xFFFFFFD0] =	vst v4  }
0x1fa: {  	[tilespmem:s17+$0xFFFFFFE0] =	vst v7;
	v3 =	vmul.f32 v10, v3  }
0x1fb: {  	[tilespmem:s17+$0xFFFFFFF0] =	vst v2;
	v2 =	vmul.f32 v12, v5;
	v4 =	vpop (erf)  }
0x1fc: {  	[tilespmem:s17+$0x0] =	vst v3;
	v3 =	vmul.f32 v4, v6  }
0x1fd: {  	[tilespmem:s17+$0x10] =	vst v2;
	v0 =	vmul.f32 v0, v1  }
0x1fe: {  	[tilespmem:s17+$0x20] =	vst v3  }
0x1ff: {  	[tilespmem:s17+$0xFFFFFFC0] =	vst v0  }
0x200: {  	s15 =	rddreg [dreg:$0x11]  }
0x201: {  	[hbm4b:s15+s1] =	stream.linear.scatter [tilespmem:s9], [sflag:$0x3], $0x2800, $0x38;
	[tilespmem:$0xF080] =	vst v63  }
0x202: {  	s19 =	rddreg [dreg:$0x12]  }
0x203: {  	[tilespmem:s4], [sflag:$0x1] =	stream.linear.gather [hbm4b:s19+s1], $0x2800, $0x38;
	[tilespmem:$0xF080] =	vst v63  }
0x204: {  	s16 =	rddreg [dreg:$0x13]  }
0x205: {  	[tilespmem:s5], [sflag:$0x1] =	stream.linear.gather [hbm4b:s16+s1], $0x2800, $0x38;
	[tilespmem:$0xF080] =	vst v63  }
0x206: {  	_ =	swait.ge [sflag:s10], $0x2800  }
0x207: {  	[sflag:s10] =	ssyncset.done $0x0  }
0x208: {  	[sflag:s10] =	ssyncadd.s32 $0xFFFFD800  }
0x209: {  	_ =	swait.ge [sflag:s10], $0x2800  }
0x20a: {  	[sflag:s10] =	ssyncset.done $0x0  }
0x20b: {  	[sflag:s10] =	ssyncadd.s32 $0xFFFFD800  }
0x20c: {  	_ =	swait.ge [sflag:s13], $0x2800  }
0x20d: {  	[sflag:s13] =	ssyncset.done $0x0  }
0x20e: {  	s17 =	simm.s32 $0x28C0;
	[sflag:s13] =	ssyncadd.s32 $0xFFFFD800  }
0x20f: {  	v0 =	vld [tilespmem:s17+$0x30]  }
0x210: {  	v1 =	vld [tilespmem:s17+$0xFFFFFFC0]  }
0x211: {  	s18 =	simm.s32 $0x78C0;
	v2 =	vld [tilespmem:s17+$0xFFFFFFD0]  }
0x212: {  	v3 =	vld [tilespmem:s18+$0x30]  }
0x213: {  	v4 =	vld [tilespmem:s17+$0xFFFFFFE0]  }
0x214: {  	v5 =	vld [tilespmem:s17+$0xFFFFFFF0]  }
0x215: {  	v6 =	vld [tilespmem:s17+$0x0]  }
0x216: {  	v7 =	vld [tilespmem:s17+$0x10]  }
0x217: {  	v8 =	vld [tilespmem:s17+$0x20]  }
0x218: {  	v9 =	vld [tilespmem:s18+$0xFFFFFFD0]  }
0x219: {  	v10 =	vld [tilespmem:s18+$0xFFFFFFE0]  }
0x21a: {  	v11 =	vld [tilespmem:s18+$0xFFFFFFF0]  }
0x21b: {  	v12 =	vld [tilespmem:s18+$0x0]  }
0x21c: {  	v13 =	vld [tilespmem:s18+$0x10]  }
0x21d: {  	v14 =	vld [tilespmem:s18+$0x20]  }
0x21e: {  	s19 =	simm.s32 $0x2940;
	v15 =	vld [tilespmem:s18+$0xFFFFFFC0];
	v0 =	vmul.f32 $1.442695020e+00, v0  }
0x21f: {  	s15 =	simm.s32 $0x7940;
	v16 =	vld [tilespmem:s19+$0x20];
	v1 =	vmul.f32 $1.442695020e+00, v1  }
0x220: {  	v20 =	vld [tilespmem:s15+$0x0];
	v2 =	vmul.f32 $1.442695020e+00, v2;
	(erf) = vpow2.f32 v0  }
0x221: {  	v0 =	vld [tilespmem:s19+$0x30];
	(erf) = vpow2.f32 v1;
	v1 =	vmul.f32 $1.442695020e+00, v4  }
0x222: {  	v4 =	vld [tilespmem:s19+$0xFFFFFFC0];
	(erf) = vpow2.f32 v2;
	v2 =	vmul.f32 $1.442695020e+00, v5  }
0x223: {  	v6 =	vmul.f32 $1.442695020e+00, v6;
	v5 =	vld [tilespmem:s19+$0xFFFFFFD0];
	(erf) = vpow2.f32 v1  }
0x224: {  	v1 =	vld [tilespmem:s15+$0x30];
	(erf) = vpow2.f32 v2  }
0x225: {  	v7 =	vmul.f32 $1.442695020e+00, v7;
	(erf) = vpow2.f32 v6;
	v6 =	vld [tilespmem:s19+$0xFFFFFFF0]  }
0x226: {  	v2 =	vld [tilespmem:s19+$0xFFFFFFE0];
	v0 =	vmul.f32 $1.442695020e+00, v0  }
0x227: {  	v8 =	vmul.f32 $1.442695020e+00, v8;
	(erf) = vpow2.f32 v7;
	v7 =	vld [tilespmem:s19+$0x0]  }
0x228: {  	v3 =	vld.idx.msk [tilespmem:v3+s1+$0x0], $0xffff;
	v4 =	vmul.f32 $1.442695020e+00, v4  }
0x229: {  	v10 =	vld.idx.msk [tilespmem:v10+s1+$0x0], $0xffff;
	(erf) = vpow2.f32 v8;
	v5 =	vmul.f32 $1.442695020e+00, v5  }
0x22a: {  	v11 =	vld.idx.msk [tilespmem:v11+s1+$0x0], $0xffff;
	(erf) = vpow2.f32 v0;
	v0 =	vpop (erf);
	v6 =	vmul.f32 $1.442695020e+00, v6  }
0x22b: {  	v8 =	vld [tilespmem:s19+$0x10];
	(erf) = vpow2.f32 v4;
	v2 =	vmul.f32 $1.442695020e+00, v2;
	v17 =	vpop (erf)  }
0x22c: {  	v13 =	vld.idx.msk [tilespmem:v13+s1+$0x0], $0xffff;
	(erf) = vpow2.f32 v5;
	v18 =	vpop (erf);
	v7 =	vmul.f32 $1.442695020e+00, v7  }
0x22d: {  	v19 =	vld.idx.msk [tilespmem:v1+s1+$0x0], $0xffff;
	(erf) = vpow2.f32 v2;
	v1 =	vpop (erf)  }
0x22e: {  	v9 =	vld.idx.msk [tilespmem:v9+s1+$0x0], $0xffff;
	v0 =	vmul.f32 v0, v3;
	(erf) = vpow2.f32 v6;
	v6 =	vpop (erf)  }
0x22f: {  	s16 =	simm.s32 $0xC8C0;
	v21 =	vld [tilespmem:s15+$0x10];
	v3 =	vpop (erf);
	v6 =	vmul.f32 v6, v11  }
0x230: {  	v4 =	vld [tilespmem:s15+$0xFFFFFFD0];
	v8 =	vmul.f32 $1.442695020e+00, v8;
	[tilespmem:s16+$0x30] =	vst v0;
	(erf) = vpow2.f32 v7;
	v7 =	vpop (erf)  }
0x231: {  	v5 =	vld [tilespmem:s15+$0xFFFFFFE0];
	v0 =	vmul.f32 v1, v10;
	[tilespmem:s16+$0xFFFFFFF0] =	vst v6;
	v6 =	vmul.f32 v7, v13  }
0x232: {  	v12 =	vld.idx.msk [tilespmem:v12+s1+$0x0], $0xffff;
	(erf) = vpow2.f32 v8  }
0x233: {  	v2 =	vld [tilespmem:s15+$0xFFFFFFF0];
	v8 =	vmul.f32 v18, v9;
	v9 =	vpop (erf);
	[tilespmem:s16+$0x10] =	vst v6;
	v6 =	vmul.f32 $1.442695020e+00, v16  }
0x234: {  	v63 =	vld [tilespmem:s15+$0x20];
	v10 =	vpop (erf)  }
0x235: {  	v14 =	vld.idx.msk [tilespmem:v14+s1+$0x0], $0xffff;
	[tilespmem:s16+$0xFFFFFFE0] =	vst v0;
	v0 =	vpop (erf);
	(erf) = vpow2.f32 v6  }
0x236: {  	v15 =	vld.idx.msk [tilespmem:v15+s1+$0x0], $0xffff  }
0x237: {  	v1 =	vld [tilespmem:s15+$0xFFFFFFC0]  }
0x238: {  	v3 =	vmul.f32 v3, v12;
	v4 =	vld.idx.msk [tilespmem:v4+s1+$0x0], $0xffff  }
0x239: {  	[tilespmem:s16+$0xFFFFFFD0] =	vst v8;
	v7 =	vld.idx.msk [tilespmem:v5+s1+$0x0], $0xffff;
	v12 =	vmul.f32 v10, v19;
	v8 =	vpop (erf)  }
0x23a: {  	[tilespmem:s16+$0x0] =	vst v3;
	v5 =	vmul.f32 v9, v14;
	v3 =	vld.idx.msk [tilespmem:v20+s1+$0x0], $0xffff;
	v11 =	vpop (erf)  }
0x23b: {  	v2 =	vld.idx.msk [tilespmem:v2+s1+$0x0], $0xffff;
	v9 =	vpop (erf)  }
0x23c: {  	s17 =	simm.s32 $0xC940;
	[tilespmem:s16+$0x20] =	vst v5;
	v5 =	vld.idx.msk [tilespmem:v21+s1+$0x0], $0xffff;
	v10 =	vpop (erf)  }
0x23d: {  	s18 =	simm.s32 $0x8;
	s19 =	simm.s32 $0x29C0;
	v13 =	vmul.f32 v17, v15;
	[tilespmem:s17+$0x30] =	vst v12;
	v6 =	vld.idx.msk [tilespmem:v63+s1+$0x0], $0xffff;
	v12 =	vpop (erf)  }
.LBB2_12:
0x23e: {  	v14 =	vld [tilespmem:s19+$0x30];
	s18 =	sadd.s32 $0x8, s18;
	v4 =	vmul.f32 v8, v4;
	v8 =	vpop (erf)  }
0x23f: {  	v7 =	vmul.f32 v11, v7;
	v15 =	vld [tilespmem:s19+$0xFFFFFFC0];
	p0 =	slt.u32 s18, $0x278;
	[tilespmem:s16+$0xFFFFFFC0] =	vst v13;
	s16 =	smov.u32 s17  }
0x240: {  	s15 =	sadd.s32 $0x80, s15;
	v2 =	vmul.f32 v9, v2;
	v11 =	vld [tilespmem:s19+$0xFFFFFFD0];
	[tilespmem:s17+$0xFFFFFFD0] =	vst v4  }
0x241: {  	v3 =	vmul.f32 v10, v3;
	v4 =	vld [tilespmem:s15+$0x30];
	[tilespmem:s17+$0xFFFFFFE0] =	vst v7  }
0x242: {  	v7 =	vld [tilespmem:s19+$0xFFFFFFE0];
	[tilespmem:s17+$0xFFFFFFF0] =	vst v2;
	v2 =	vmul.f32 v12, v5  }
0x243: {  	v5 =	vld [tilespmem:s19+$0xFFFFFFF0];
	v9 =	vmul.f32 $1.442695020e+00, v14;
	[tilespmem:s17+$0x0] =	vst v3;
	v3 =	vmul.f32 v8, v6  }
0x244: {  	v6 =	vmul.f32 $1.442695020e+00, v15;
	v8 =	vld [tilespmem:s19+$0x0];
	[tilespmem:s17+$0x10] =	vst v2  }
0x245: {  	v2 =	vmul.f32 $1.442695020e+00, v11;
	v10 =	vld [tilespmem:s19+$0x10];
	(erf) = vpow2.f32 v9;
	[tilespmem:s17+$0x20] =	vst v3  }
0x246: {  	v3 =	vld [tilespmem:s19+$0x20];
	(erf) = vpow2.f32 v6  }
0x247: {  	v6 =	vld [tilespmem:s15+$0xFFFFFFD0];
	v7 =	vmul.f32 $1.442695020e+00, v7;
	(erf) = vpow2.f32 v2  }
0x248: {  	v2 =	vld [tilespmem:s15+$0xFFFFFFE0];
	v5 =	vmul.f32 $1.442695020e+00, v5  }
0x249: {  	v8 =	vmul.f32 $1.442695020e+00, v8;
	v4 =	vld.idx.msk [tilespmem:v4+s1+$0x0], $0xffff;
	(erf) = vpow2.f32 v7  }
0x24a: {  	v9 =	vld [tilespmem:s15+$0xFFFFFFF0];
	v7 =	vmul.f32 $1.442695020e+00, v10;
	(erf) = vpow2.f32 v5  }
0x24b: {  	v5 =	vld [tilespmem:s15+$0x0];
	v11 =	vmul.f32 $1.442695020e+00, v3;
	(erf) = vpow2.f32 v8  }
0x24c: {  	v10 =	vld [tilespmem:s15+$0x10];
	(erf) = vpow2.f32 v7  }
0x24d: {  	v12 =	vld [tilespmem:s15+$0x20];
	(erf) = vpow2.f32 v11  }
0x24e: {  	v13 =	vld [tilespmem:s15+$0xFFFFFFC0];
	v3 =	vpop (erf)  }
0x24f: {  	v3 =	vmul.f32 v3, v4;
	v14 =	vpop (erf);
	v15 =	vld.idx.msk [tilespmem:v1+s1+$0x0], $0xffff  }
0x250: {  	s17 =	sadd.s32 $0x80, s17;
	v4 =	vld.idx.msk [tilespmem:v6+s1+$0x0], $0xffff;
	v8 =	vpop (erf)  }
.Ltmp5:
0x251: {  	v7 =	vld.idx.msk [tilespmem:v2+s1+$0x0], $0xffff;
	[tilespmem:s17+$0x30] =	vst v3;
	(pc) =	sbr.rel @p0 .LBB2_12-.Ltmp5, $4  }
0x252: {  	v2 =	vld.idx.msk [tilespmem:v9+s1+$0x0], $0xffff;
	v11 =	vpop (erf)  }
0x253: {  	v3 =	vld.idx.msk [tilespmem:v5+s1+$0x0], $0xffff;
	v9 =	vpop (erf);
	v1 =	vmov v13  }
0x254: {  	v5 =	vld.idx.msk [tilespmem:v10+s1+$0x0], $0xffff;
	v10 =	vpop (erf)  }
0x255: {  	s19 =	sadd.s32 $0x80, s19;
	v13 =	vmul.f32 v0, v15;
	v0 =	vmov v14;
	v6 =	vld.idx.msk [tilespmem:v12+s1+$0x0], $0xffff;
	v12 =	vpop (erf)  }
0x256: {  	_ =	sdelay $0x2  }
0x257: {  	v4 =	vmul.f32 v8, v4  }
0x258: {  	v7 =	vmul.f32 v11, v7;
	v1 =	vld.idx.msk [tilespmem:v1+s1+$0x0], $0xffff;
	[tilespmem:s16+$0xFFFFFFC0] =	vst v13  }
0x259: {  	v2 =	vmul.f32 v9, v2;
	[tilespmem:s17+$0xFFFFFFD0] =	vst v4  }
0x25a: {  	[tilespmem:s17+$0xFFFFFFE0] =	vst v7;
	v3 =	vmul.f32 v10, v3  }
0x25b: {  	[tilespmem:s17+$0xFFFFFFF0] =	vst v2;
	v2 =	vmul.f32 v12, v5;
	v4 =	vpop (erf)  }
0x25c: {  	[tilespmem:s17+$0x0] =	vst v3;
	v3 =	vmul.f32 v4, v6  }
0x25d: {  	[tilespmem:s17+$0x10] =	vst v2;
	v0 =	vmul.f32 v0, v1  }
0x25e: {  	[tilespmem:s17+$0x20] =	vst v3  }
0x25f: {  	[tilespmem:s17+$0xFFFFFFC0] =	vst v0  }
0x260: {  	s15 =	rddreg [dreg:$0x14]  }
0x261: {  	[hbm4b:s15+s1] =	stream.linear.scatter [tilespmem:s11], [sflag:$0x4], $0x2800, $0x38;
	[tilespmem:$0xF080] =	vst v63  }
0x262: {  	_ = 	snop  }
0x263: {  	[tilespmem:s6], [sflag:$0x2] =	stream.linear.gather [hbm4b:s20+s1], $0x2800, $0x38;
	[tilespmem:$0xF080] =	vst v63  }
0x264: {  	_ = 	snop  }
0x265: {  	[tilespmem:s7], [sflag:$0x2] =	stream.linear.gather [hbm4b:s21+s1], $0x2800, $0x38;
	[tilespmem:$0xF080] =	vst v63  }
0x266: {  	_ =	swait.ge [sflag:s8], $0x2800  }
0x267: {  	[sflag:s8] =	ssyncset.done $0x0  }
0x268: {  	[sflag:s8] =	ssyncadd.s32 $0xFFFFD800  }
0x269: {  	_ =	swait.ge [sflag:s8], $0x2800  }
0x26a: {  	[sflag:s8] =	ssyncset.done $0x0  }
0x26b: {  	[sflag:s8] =	ssyncadd.s32 $0xFFFFD800  }
0x26c: {  	_ =	swait.ge [sflag:s12], $0x2800  }
0x26d: {  	[sflag:s12] =	ssyncset.done $0x0  }
0x26e: {  	s17 =	simm.s32 $0xC0;
	[sflag:s12] =	ssyncadd.s32 $0xFFFFD800  }
0x26f: {  	v0 =	vld [tilespmem:s17+$0x30]  }
0x270: {  	v1 =	vld [tilespmem:s17+$0xFFFFFFC0]  }
0x271: {  	s18 =	simm.s32 $0x50C0;
	v2 =	vld [tilespmem:s17+$0xFFFFFFD0]  }
0x272: {  	v3 =	vld [tilespmem:s18+$0x30]  }
0x273: {  	v4 =	vld [tilespmem:s17+$0xFFFFFFE0]  }
0x274: {  	v5 =	vld [tilespmem:s17+$0xFFFFFFF0]  }
0x275: {  	v6 =	vld [tilespmem:s17+$0x0]  }
0x276: {  	v7 =	vld [tilespmem:s17+$0x10]  }
0x277: {  	v8 =	vld [tilespmem:s17+$0x20]  }
0x278: {  	v9 =	vld [tilespmem:s18+$0xFFFFFFD0]  }
0x279: {  	v10 =	vld [tilespmem:s18+$0xFFFFFFE0]  }
0x27a: {  	v11 =	vld [tilespmem:s18+$0xFFFFFFF0]  }
0x27b: {  	v12 =	vld [tilespmem:s18+$0x0]  }
0x27c: {  	v13 =	vld [tilespmem:s18+$0x10]  }
0x27d: {  	v14 =	vld [tilespmem:s18+$0x20]  }
0x27e: {  	s19 =	simm.s32 $0x140;
	v15 =	vld [tilespmem:s18+$0xFFFFFFC0];
	v0 =	vmul.f32 $1.442695020e+00, v0  }
0x27f: {  	s15 =	simm.s32 $0x5140;
	v16 =	vld [tilespmem:s19+$0x20];
	v1 =	vmul.f32 $1.442695020e+00, v1  }
0x280: {  	v20 =	vld [tilespmem:s15+$0x0];
	v2 =	vmul.f32 $1.442695020e+00, v2;
	(erf) = vpow2.f32 v0  }
0x281: {  	v0 =	vld [tilespmem:s19+$0x30];
	(erf) = vpow2.f32 v1;
	v1 =	vmul.f32 $1.442695020e+00, v4  }
0x282: {  	v4 =	vld [tilespmem:s19+$0xFFFFFFC0];
	(erf) = vpow2.f32 v2;
	v2 =	vmul.f32 $1.442695020e+00, v5  }
0x283: {  	v6 =	vmul.f32 $1.442695020e+00, v6;
	v5 =	vld [tilespmem:s19+$0xFFFFFFD0];
	(erf) = vpow2.f32 v1  }
0x284: {  	v1 =	vld [tilespmem:s15+$0x30];
	(erf) = vpow2.f32 v2  }
0x285: {  	v7 =	vmul.f32 $1.442695020e+00, v7;
	(erf) = vpow2.f32 v6;
	v6 =	vld [tilespmem:s19+$0xFFFFFFF0]  }
0x286: {  	v2 =	vld [tilespmem:s19+$0xFFFFFFE0];
	v0 =	vmul.f32 $1.442695020e+00, v0  }
0x287: {  	v8 =	vmul.f32 $1.442695020e+00, v8;
	(erf) = vpow2.f32 v7;
	v7 =	vld [tilespmem:s19+$0x0]  }
0x288: {  	v3 =	vld.idx.msk [tilespmem:v3+s1+$0x0], $0xffff;
	v4 =	vmul.f32 $1.442695020e+00, v4  }
0x289: {  	v10 =	vld.idx.msk [tilespmem:v10+s1+$0x0], $0xffff;
	(erf) = vpow2.f32 v8;
	v5 =	vmul.f32 $1.442695020e+00, v5  }
0x28a: {  	v11 =	vld.idx.msk [tilespmem:v11+s1+$0x0], $0xffff;
	(erf) = vpow2.f32 v0;
	v0 =	vpop (erf);
	v6 =	vmul.f32 $1.442695020e+00, v6  }
0x28b: {  	v8 =	vld [tilespmem:s19+$0x10];
	(erf) = vpow2.f32 v4;
	v2 =	vmul.f32 $1.442695020e+00, v2;
	v17 =	vpop (erf)  }
0x28c: {  	v13 =	vld.idx.msk [tilespmem:v13+s1+$0x0], $0xffff;
	(erf) = vpow2.f32 v5;
	v18 =	vpop (erf);
	v7 =	vmul.f32 $1.442695020e+00, v7  }
0x28d: {  	v19 =	vld.idx.msk [tilespmem:v1+s1+$0x0], $0xffff;
	(erf) = vpow2.f32 v2;
	v1 =	vpop (erf)  }
0x28e: {  	v9 =	vld.idx.msk [tilespmem:v9+s1+$0x0], $0xffff;
	v0 =	vmul.f32 v0, v3;
	(erf) = vpow2.f32 v6;
	v6 =	vpop (erf)  }
0x28f: {  	s16 =	simm.s32 $0xA0C0;
	v21 =	vld [tilespmem:s15+$0x10];
	v3 =	vpop (erf);
	v6 =	vmul.f32 v6, v11  }
0x290: {  	v4 =	vld [tilespmem:s15+$0xFFFFFFD0];
	v8 =	vmul.f32 $1.442695020e+00, v8;
	[tilespmem:s16+$0x30] =	vst v0;
	(erf) = vpow2.f32 v7;
	v7 =	vpop (erf)  }
0x291: {  	v5 =	vld [tilespmem:s15+$0xFFFFFFE0];
	v0 =	vmul.f32 v1, v10;
	[tilespmem:s16+$0xFFFFFFF0] =	vst v6;
	v6 =	vmul.f32 v7, v13  }
0x292: {  	v12 =	vld.idx.msk [tilespmem:v12+s1+$0x0], $0xffff;
	(erf) = vpow2.f32 v8  }
0x293: {  	v2 =	vld [tilespmem:s15+$0xFFFFFFF0];
	v8 =	vmul.f32 v18, v9;
	v9 =	vpop (erf);
	[tilespmem:s16+$0x10] =	vst v6;
	v6 =	vmul.f32 $1.442695020e+00, v16  }
0x294: {  	v63 =	vld [tilespmem:s15+$0x20];
	v10 =	vpop (erf)  }
0x295: {  	v14 =	vld.idx.msk [tilespmem:v14+s1+$0x0], $0xffff;
	[tilespmem:s16+$0xFFFFFFE0] =	vst v0;
	v0 =	vpop (erf);
	(erf) = vpow2.f32 v6  }
0x296: {  	v15 =	vld.idx.msk [tilespmem:v15+s1+$0x0], $0xffff  }
0x297: {  	v1 =	vld [tilespmem:s15+$0xFFFFFFC0]  }
0x298: {  	v3 =	vmul.f32 v3, v12;
	v4 =	vld.idx.msk [tilespmem:v4+s1+$0x0], $0xffff  }
0x299: {  	[tilespmem:s16+$0xFFFFFFD0] =	vst v8;
	v7 =	vld.idx.msk [tilespmem:v5+s1+$0x0], $0xffff;
	v12 =	vmul.f32 v10, v19;
	v8 =	vpop (erf)  }
0x29a: {  	[tilespmem:s16+$0x0] =	vst v3;
	v5 =	vmul.f32 v9, v14;
	v3 =	vld.idx.msk [tilespmem:v20+s1+$0x0], $0xffff;
	v11 =	vpop (erf)  }
0x29b: {  	v2 =	vld.idx.msk [tilespmem:v2+s1+$0x0], $0xffff;
	v9 =	vpop (erf)  }
0x29c: {  	s17 =	simm.s32 $0xA140;
	[tilespmem:s16+$0x20] =	vst v5;
	v5 =	vld.idx.msk [tilespmem:v21+s1+$0x0], $0xffff;
	v10 =	vpop (erf)  }
0x29d: {  	s18 =	simm.s32 $0x8;
	s19 =	simm.s32 $0x1C0;
	v13 =	vmul.f32 v17, v15;
	[tilespmem:s17+$0x30] =	vst v12;
	v6 =	vld.idx.msk [tilespmem:v63+s1+$0x0], $0xffff;
	v12 =	vpop (erf)  }
.LBB2_14:
0x29e: {  	v14 =	vld [tilespmem:s19+$0x30];
	s18 =	sadd.s32 $0x8, s18;
	v4 =	vmul.f32 v8, v4;
	v8 =	vpop (erf)  }
0x29f: {  	v7 =	vmul.f32 v11, v7;
	v15 =	vld [tilespmem:s19+$0xFFFFFFC0];
	p0 =	slt.u32 s18, $0x278;
	[tilespmem:s16+$0xFFFFFFC0] =	vst v13;
	s16 =	smov.u32 s17  }
0x2a0: {  	s15 =	sadd.s32 $0x80, s15;
	v2 =	vmul.f32 v9, v2;
	v11 =	vld [tilespmem:s19+$0xFFFFFFD0];
	[tilespmem:s17+$0xFFFFFFD0] =	vst v4  }
0x2a1: {  	v3 =	vmul.f32 v10, v3;
	v4 =	vld [tilespmem:s15+$0x30];
	[tilespmem:s17+$0xFFFFFFE0] =	vst v7  }
0x2a2: {  	v7 =	vld [tilespmem:s19+$0xFFFFFFE0];
	[tilespmem:s17+$0xFFFFFFF0] =	vst v2;
	v2 =	vmul.f32 v12, v5  }
0x2a3: {  	v5 =	vld [tilespmem:s19+$0xFFFFFFF0];
	v9 =	vmul.f32 $1.442695020e+00, v14;
	[tilespmem:s17+$0x0] =	vst v3;
	v3 =	vmul.f32 v8, v6  }
0x2a4: {  	v6 =	vmul.f32 $1.442695020e+00, v15;
	v8 =	vld [tilespmem:s19+$0x0];
	[tilespmem:s17+$0x10] =	vst v2  }
0x2a5: {  	v2 =	vmul.f32 $1.442695020e+00, v11;
	v10 =	vld [tilespmem:s19+$0x10];
	(erf) = vpow2.f32 v9;
	[tilespmem:s17+$0x20] =	vst v3  }
0x2a6: {  	v3 =	vld [tilespmem:s19+$0x20];
	(erf) = vpow2.f32 v6  }
0x2a7: {  	v6 =	vld [tilespmem:s15+$0xFFFFFFD0];
	v7 =	vmul.f32 $1.442695020e+00, v7;
	(erf) = vpow2.f32 v2  }
0x2a8: {  	v2 =	vld [tilespmem:s15+$0xFFFFFFE0];
	v5 =	vmul.f32 $1.442695020e+00, v5  }
0x2a9: {  	v8 =	vmul.f32 $1.442695020e+00, v8;
	v4 =	vld.idx.msk [tilespmem:v4+s1+$0x0], $0xffff;
	(erf) = vpow2.f32 v7  }
0x2aa: {  	v9 =	vld [tilespmem:s15+$0xFFFFFFF0];
	v7 =	vmul.f32 $1.442695020e+00, v10;
	(erf) = vpow2.f32 v5  }
0x2ab: {  	v5 =	vld [tilespmem:s15+$0x0];
	v11 =	vmul.f32 $1.442695020e+00, v3;
	(erf) = vpow2.f32 v8  }
0x2ac: {  	v10 =	vld [tilespmem:s15+$0x10];
	(erf) = vpow2.f32 v7  }
0x2ad: {  	v12 =	vld [tilespmem:s15+$0x20];
	(erf) = vpow2.f32 v11  }
0x2ae: {  	v13 =	vld [tilespmem:s15+$0xFFFFFFC0];
	v3 =	vpop (erf)  }
0x2af: {  	v3 =	vmul.f32 v3, v4;
	v14 =	vpop (erf);
	v15 =	vld.idx.msk [tilespmem:v1+s1+$0x0], $0xffff  }
0x2b0: {  	s17 =	sadd.s32 $0x80, s17;
	v4 =	vld.idx.msk [tilespmem:v6+s1+$0x0], $0xffff;
	v8 =	vpop (erf)  }
.Ltmp6:
0x2b1: {  	v7 =	vld.idx.msk [tilespmem:v2+s1+$0x0], $0xffff;
	[tilespmem:s17+$0x30] =	vst v3;
	(pc) =	sbr.rel @p0 .LBB2_14-.Ltmp6, $4  }
0x2b2: {  	v2 =	vld.idx.msk [tilespmem:v9+s1+$0x0], $0xffff;
	v11 =	vpop (erf)  }
0x2b3: {  	v3 =	vld.idx.msk [tilespmem:v5+s1+$0x0], $0xffff;
	v9 =	vpop (erf);
	v1 =	vmov v13  }
0x2b4: {  	v5 =	vld.idx.msk [tilespmem:v10+s1+$0x0], $0xffff;
	v10 =	vpop (erf)  }
0x2b5: {  	s19 =	sadd.s32 $0x80, s19;
	v13 =	vmul.f32 v0, v15;
	v0 =	vmov v14;
	v6 =	vld.idx.msk [tilespmem:v12+s1+$0x0], $0xffff;
	v12 =	vpop (erf)  }
0x2b6: {  	_ =	sdelay $0x2  }
0x2b7: {  	v4 =	vmul.f32 v8, v4  }
0x2b8: {  	v7 =	vmul.f32 v11, v7;
	v1 =	vld.idx.msk [tilespmem:v1+s1+$0x0], $0xffff;
	[tilespmem:s16+$0xFFFFFFC0] =	vst v13  }
0x2b9: {  	v2 =	vmul.f32 v9, v2;
	[tilespmem:s17+$0xFFFFFFD0] =	vst v4  }
0x2ba: {  	[tilespmem:s17+$0xFFFFFFE0] =	vst v7;
	v3 =	vmul.f32 v10, v3  }
0x2bb: {  	[tilespmem:s17+$0xFFFFFFF0] =	vst v2;
	v2 =	vmul.f32 v12, v5;
	v4 =	vpop (erf)  }
0x2bc: {  	[tilespmem:s17+$0x0] =	vst v3;
	v3 =	vmul.f32 v4, v6  }
0x2bd: {  	[tilespmem:s17+$0x10] =	vst v2;
	v0 =	vmul.f32 v0, v1  }
0x2be: {  	[tilespmem:s17+$0x20] =	vst v3  }
0x2bf: {  	[tilespmem:s17+$0xFFFFFFC0] =	vst v0  }
0x2c0: {  	s15 =	rddreg [dreg:$0x15]  }
0x2c1: {  	[hbm4b:s15+s1] =	stream.linear.scatter [tilespmem:s9], [sflag:$0x3], $0x2800, $0x38;
	[tilespmem:$0xF080] =	vst v63  }
0x2c2: {  	_ = 	snop  }
0x2c3: {  	[tilespmem:s4], [sflag:$0x1] =	stream.linear.gather [hbm4b:s28+s1], $0x2800, $0x38;
	[tilespmem:$0xF080] =	vst v63  }
0x2c4: {  	_ = 	snop  }
0x2c5: {  	[tilespmem:s5], [sflag:$0x1] =	stream.linear.gather [hbm4b:s31+s1], $0x2800, $0x38;
	[tilespmem:$0xF080] =	vst v63  }
0x2c6: {  	_ =	swait.ge [sflag:s10], $0x2800  }
0x2c7: {  	[sflag:s10] =	ssyncset.done $0x0  }
0x2c8: {  	[sflag:s10] =	ssyncadd.s32 $0xFFFFD800  }
0x2c9: {  	_ =	swait.ge [sflag:s10], $0x2800  }
0x2ca: {  	[sflag:s10] =	ssyncset.done $0x0  }
0x2cb: {  	[sflag:s10] =	ssyncadd.s32 $0xFFFFD800  }
0x2cc: {  	_ =	swait.ge [sflag:s13], $0x2800  }
0x2cd: {  	[sflag:s13] =	ssyncset.done $0x0  }
0x2ce: {  	s17 =	simm.s32 $0x28C0;
	[sflag:s13] =	ssyncadd.s32 $0xFFFFD800  }
0x2cf: {  	v0 =	vld [tilespmem:s17+$0x30]  }
0x2d0: {  	v1 =	vld [tilespmem:s17+$0xFFFFFFC0]  }
0x2d1: {  	s18 =	simm.s32 $0x78C0;
	v2 =	vld [tilespmem:s17+$0xFFFFFFD0]  }
0x2d2: {  	v3 =	vld [tilespmem:s18+$0x30]  }
0x2d3: {  	v4 =	vld [tilespmem:s17+$0xFFFFFFE0]  }
0x2d4: {  	v5 =	vld [tilespmem:s17+$0xFFFFFFF0]  }
0x2d5: {  	v6 =	vld [tilespmem:s17+$0x0]  }
0x2d6: {  	v7 =	vld [tilespmem:s17+$0x10]  }
0x2d7: {  	v8 =	vld [tilespmem:s17+$0x20]  }
0x2d8: {  	v9 =	vld [tilespmem:s18+$0xFFFFFFD0]  }
0x2d9: {  	v10 =	vld [tilespmem:s18+$0xFFFFFFE0]  }
0x2da: {  	v11 =	vld [tilespmem:s18+$0xFFFFFFF0]  }
0x2db: {  	v12 =	vld [tilespmem:s18+$0x0]  }
0x2dc: {  	v13 =	vld [tilespmem:s18+$0x10]  }
0x2dd: {  	v14 =	vld [tilespmem:s18+$0x20]  }
0x2de: {  	s19 =	simm.s32 $0x2940;
	v15 =	vld [tilespmem:s18+$0xFFFFFFC0];
	v0 =	vmul.f32 $1.442695020e+00, v0  }
0x2df: {  	s15 =	simm.s32 $0x7940;
	v16 =	vld [tilespmem:s19+$0x20];
	v1 =	vmul.f32 $1.442695020e+00, v1  }
0x2e0: {  	v20 =	vld [tilespmem:s15+$0x0];
	v2 =	vmul.f32 $1.442695020e+00, v2;
	(erf) = vpow2.f32 v0  }
0x2e1: {  	v0 =	vld [tilespmem:s19+$0x30];
	(erf) = vpow2.f32 v1;
	v1 =	vmul.f32 $1.442695020e+00, v4  }
0x2e2: {  	v4 =	vld [tilespmem:s19+$0xFFFFFFC0];
	(erf) = vpow2.f32 v2;
	v2 =	vmul.f32 $1.442695020e+00, v5  }
0x2e3: {  	v6 =	vmul.f32 $1.442695020e+00, v6;
	v5 =	vld [tilespmem:s19+$0xFFFFFFD0];
	(erf) = vpow2.f32 v1  }
0x2e4: {  	v1 =	vld [tilespmem:s15+$0x30];
	(erf) = vpow2.f32 v2  }
0x2e5: {  	v7 =	vmul.f32 $1.442695020e+00, v7;
	(erf) = vpow2.f32 v6;
	v6 =	vld [tilespmem:s19+$0xFFFFFFF0]  }
0x2e6: {  	v2 =	vld [tilespmem:s19+$0xFFFFFFE0];
	v0 =	vmul.f32 $1.442695020e+00, v0  }
0x2e7: {  	v8 =	vmul.f32 $1.442695020e+00, v8;
	(erf) = vpow2.f32 v7;
	v7 =	vld [tilespmem:s19+$0x0]  }
0x2e8: {  	v3 =	vld.idx.msk [tilespmem:v3+s1+$0x0], $0xffff;
	v4 =	vmul.f32 $1.442695020e+00, v4  }
0x2e9: {  	v10 =	vld.idx.msk [tilespmem:v10+s1+$0x0], $0xffff;
	(erf) = vpow2.f32 v8;
	v5 =	vmul.f32 $1.442695020e+00, v5  }
0x2ea: {  	v11 =	vld.idx.msk [tilespmem:v11+s1+$0x0], $0xffff;
	(erf) = vpow2.f32 v0;
	v0 =	vpop (erf);
	v6 =	vmul.f32 $1.442695020e+00, v6  }
0x2eb: {  	v8 =	vld [tilespmem:s19+$0x10];
	(erf) = vpow2.f32 v4;
	v2 =	vmul.f32 $1.442695020e+00, v2;
	v17 =	vpop (erf)  }
0x2ec: {  	v13 =	vld.idx.msk [tilespmem:v13+s1+$0x0], $0xffff;
	(erf) = vpow2.f32 v5;
	v18 =	vpop (erf);
	v7 =	vmul.f32 $1.442695020e+00, v7  }
0x2ed: {  	v19 =	vld.idx.msk [tilespmem:v1+s1+$0x0], $0xffff;
	(erf) = vpow2.f32 v2;
	v1 =	vpop (erf)  }
0x2ee: {  	v9 =	vld.idx.msk [tilespmem:v9+s1+$0x0], $0xffff;
	v0 =	vmul.f32 v0, v3;
	(erf) = vpow2.f32 v6;
	v6 =	vpop (erf)  }
0x2ef: {  	s16 =	simm.s32 $0xC8C0;
	v21 =	vld [tilespmem:s15+$0x10];
	v3 =	vpop (erf);
	v6 =	vmul.f32 v6, v11  }
0x2f0: {  	v4 =	vld [tilespmem:s15+$0xFFFFFFD0];
	v8 =	vmul.f32 $1.442695020e+00, v8;
	[tilespmem:s16+$0x30] =	vst v0;
	(erf) = vpow2.f32 v7;
	v7 =	vpop (erf)  }
0x2f1: {  	v5 =	vld [tilespmem:s15+$0xFFFFFFE0];
	v0 =	vmul.f32 v1, v10;
	[tilespmem:s16+$0xFFFFFFF0] =	vst v6;
	v6 =	vmul.f32 v7, v13  }
0x2f2: {  	v12 =	vld.idx.msk [tilespmem:v12+s1+$0x0], $0xffff;
	(erf) = vpow2.f32 v8  }
0x2f3: {  	v2 =	vld [tilespmem:s15+$0xFFFFFFF0];
	v8 =	vmul.f32 v18, v9;
	v9 =	vpop (erf);
	[tilespmem:s16+$0x10] =	vst v6;
	v6 =	vmul.f32 $1.442695020e+00, v16  }
0x2f4: {  	v63 =	vld [tilespmem:s15+$0x20];
	v10 =	vpop (erf)  }
0x2f5: {  	v14 =	vld.idx.msk [tilespmem:v14+s1+$0x0], $0xffff;
	[tilespmem:s16+$0xFFFFFFE0] =	vst v0;
	v0 =	vpop (erf);
	(erf) = vpow2.f32 v6  }
0x2f6: {  	v15 =	vld.idx.msk [tilespmem:v15+s1+$0x0], $0xffff  }
0x2f7: {  	v1 =	vld [tilespmem:s15+$0xFFFFFFC0]  }
0x2f8: {  	v3 =	vmul.f32 v3, v12;
	v4 =	vld.idx.msk [tilespmem:v4+s1+$0x0], $0xffff  }
0x2f9: {  	[tilespmem:s16+$0xFFFFFFD0] =	vst v8;
	v7 =	vld.idx.msk [tilespmem:v5+s1+$0x0], $0xffff;
	v12 =	vmul.f32 v10, v19;
	v8 =	vpop (erf)  }
0x2fa: {  	[tilespmem:s16+$0x0] =	vst v3;
	v5 =	vmul.f32 v9, v14;
	v3 =	vld.idx.msk [tilespmem:v20+s1+$0x0], $0xffff;
	v11 =	vpop (erf)  }
0x2fb: {  	v2 =	vld.idx.msk [tilespmem:v2+s1+$0x0], $0xffff;
	v9 =	vpop (erf)  }
0x2fc: {  	s17 =	simm.s32 $0xC940;
	[tilespmem:s16+$0x20] =	vst v5;
	v5 =	vld.idx.msk [tilespmem:v21+s1+$0x0], $0xffff;
	v10 =	vpop (erf)  }
0x2fd: {  	s18 =	simm.s32 $0x8;
	s19 =	simm.s32 $0x29C0;
	v13 =	vmul.f32 v17, v15;
	[tilespmem:s17+$0x30] =	vst v12;
	v6 =	vld.idx.msk [tilespmem:v63+s1+$0x0], $0xffff;
	v12 =	vpop (erf)  }
.LBB2_16:
0x2fe: {  	v14 =	vld [tilespmem:s19+$0x30];
	s18 =	sadd.s32 $0x8, s18;
	v4 =	vmul.f32 v8, v4;
	v8 =	vpop (erf)  }
0x2ff: {  	v7 =	vmul.f32 v11, v7;
	v15 =	vld [tilespmem:s19+$0xFFFFFFC0];
	p0 =	slt.u32 s18, $0x278;
	[tilespmem:s16+$0xFFFFFFC0] =	vst v13;
	s16 =	smov.u32 s17  }
0x300: {  	s15 =	sadd.s32 $0x80, s15;
	v2 =	vmul.f32 v9, v2;
	v11 =	vld [tilespmem:s19+$0xFFFFFFD0];
	[tilespmem:s17+$0xFFFFFFD0] =	vst v4  }
0x301: {  	v3 =	vmul.f32 v10, v3;
	v4 =	vld [tilespmem:s15+$0x30];
	[tilespmem:s17+$0xFFFFFFE0] =	vst v7  }
0x302: {  	v7 =	vld [tilespmem:s19+$0xFFFFFFE0];
	[tilespmem:s17+$0xFFFFFFF0] =	vst v2;
	v2 =	vmul.f32 v12, v5  }
0x303: {  	v5 =	vld [tilespmem:s19+$0xFFFFFFF0];
	v9 =	vmul.f32 $1.442695020e+00, v14;
	[tilespmem:s17+$0x0] =	vst v3;
	v3 =	vmul.f32 v8, v6  }
0x304: {  	v6 =	vmul.f32 $1.442695020e+00, v15;
	v8 =	vld [tilespmem:s19+$0x0];
	[tilespmem:s17+$0x10] =	vst v2  }
0x305: {  	v2 =	vmul.f32 $1.442695020e+00, v11;
	v10 =	vld [tilespmem:s19+$0x10];
	(erf) = vpow2.f32 v9;
	[tilespmem:s17+$0x20] =	vst v3  }
0x306: {  	v3 =	vld [tilespmem:s19+$0x20];
	(erf) = vpow2.f32 v6  }
0x307: {  	v6 =	vld [tilespmem:s15+$0xFFFFFFD0];
	v7 =	vmul.f32 $1.442695020e+00, v7;
	(erf) = vpow2.f32 v2  }
0x308: {  	v2 =	vld [tilespmem:s15+$0xFFFFFFE0];
	v5 =	vmul.f32 $1.442695020e+00, v5  }
0x309: {  	v8 =	vmul.f32 $1.442695020e+00, v8;
	v4 =	vld.idx.msk [tilespmem:v4+s1+$0x0], $0xffff;
	(erf) = vpow2.f32 v7  }
0x30a: {  	v9 =	vld [tilespmem:s15+$0xFFFFFFF0];
	v7 =	vmul.f32 $1.442695020e+00, v10;
	(erf) = vpow2.f32 v5  }
0x30b: {  	v5 =	vld [tilespmem:s15+$0x0];
	v11 =	vmul.f32 $1.442695020e+00, v3;
	(erf) = vpow2.f32 v8  }
0x30c: {  	v10 =	vld [tilespmem:s15+$0x10];
	(erf) = vpow2.f32 v7  }
0x30d: {  	v12 =	vld [tilespmem:s15+$0x20];
	(erf) = vpow2.f32 v11  }
0x30e: {  	v13 =	vld [tilespmem:s15+$0xFFFFFFC0];
	v3 =	vpop (erf)  }
0x30f: {  	v3 =	vmul.f32 v3, v4;
	v14 =	vpop (erf);
	v15 =	vld.idx.msk [tilespmem:v1+s1+$0x0], $0xffff  }
0x310: {  	s17 =	sadd.s32 $0x80, s17;
	v4 =	vld.idx.msk [tilespmem:v6+s1+$0x0], $0xffff;
	v8 =	vpop (erf)  }
.Ltmp7:
0x311: {  	v7 =	vld.idx.msk [tilespmem:v2+s1+$0x0], $0xffff;
	[tilespmem:s17+$0x30] =	vst v3;
	(pc) =	sbr.rel @p0 .LBB2_16-.Ltmp7, $4  }
0x312: {  	v2 =	vld.idx.msk [tilespmem:v9+s1+$0x0], $0xffff;
	v11 =	vpop (erf)  }
0x313: {  	v3 =	vld.idx.msk [tilespmem:v5+s1+$0x0], $0xffff;
	v9 =	vpop (erf);
	v1 =	vmov v13  }
0x314: {  	v5 =	vld.idx.msk [tilespmem:v10+s1+$0x0], $0xffff;
	v10 =	vpop (erf)  }
0x315: {  	s19 =	sadd.s32 $0x80, s19;
	v13 =	vmul.f32 v0, v15;
	v0 =	vmov v14;
	v6 =	vld.idx.msk [tilespmem:v12+s1+$0x0], $0xffff;
	v12 =	vpop (erf)  }
0x316: {  	_ =	sdelay $0x2  }
0x317: {  	v4 =	vmul.f32 v8, v4  }
0x318: {  	v7 =	vmul.f32 v11, v7;
	v1 =	vld.idx.msk [tilespmem:v1+s1+$0x0], $0xffff;
	[tilespmem:s16+$0xFFFFFFC0] =	vst v13  }
0x319: {  	v2 =	vmul.f32 v9, v2;
	[tilespmem:s17+$0xFFFFFFD0] =	vst v4  }
0x31a: {  	[tilespmem:s17+$0xFFFFFFE0] =	vst v7;
	v3 =	vmul.f32 v10, v3  }
0x31b: {  	[tilespmem:s17+$0xFFFFFFF0] =	vst v2;
	v2 =	vmul.f32 v12, v5;
	v4 =	vpop (erf)  }
0x31c: {  	[tilespmem:s17+$0x0] =	vst v3;
	v3 =	vmul.f32 v4, v6  }
0x31d: {  	[tilespmem:s17+$0x10] =	vst v2;
	v0 =	vmul.f32 v0, v1  }
0x31e: {  	[tilespmem:s17+$0x20] =	vst v3  }
0x31f: {  	[tilespmem:s17+$0xFFFFFFC0] =	vst v0  }
0x320: {  	[hbm4b:s22+s1] =	stream.linear.scatter [tilespmem:s11], [sflag:$0x4], $0x2800, $0x38;
	[tilespmem:$0xF080] =	vst v63  }
0x321: {  	_ = 	snop  }
0x322: {  	[tilespmem:s6], [sflag:$0x2] =	stream.linear.gather [hbm4b:s29+s1], $0x2800, $0x38;
	[tilespmem:$0xF080] =	vst v63  }
0x323: {  	_ = 	snop  }
0x324: {  	[tilespmem:s7], [sflag:$0x2] =	stream.linear.gather [hbm4b:s26+s1], $0x2800, $0x38;
	[tilespmem:$0xF080] =	vst v63  }
0x325: {  	_ =	swait.ge [sflag:s8], $0x2800  }
0x326: {  	[sflag:s8] =	ssyncset.done $0x0  }
0x327: {  	[sflag:s8] =	ssyncadd.s32 $0xFFFFD800  }
0x328: {  	_ =	swait.ge [sflag:s8], $0x2800  }
0x329: {  	[sflag:s8] =	ssyncset.done $0x0  }
0x32a: {  	[sflag:s8] =	ssyncadd.s32 $0xFFFFD800  }
0x32b: {  	_ =	swait.ge [sflag:s12], $0x2800  }
0x32c: {  	[sflag:s12] =	ssyncset.done $0x0  }
0x32d: {  	s15 =	simm.s32 $0xC0;
	[sflag:s12] =	ssyncadd.s32 $0xFFFFD800  }
0x32e: {  	v0 =	vld [tilespmem:s15+$0x30]  }
0x32f: {  	v1 =	vld [tilespmem:s15+$0xFFFFFFC0]  }
0x330: {  	s18 =	simm.s32 $0x50C0;
	v2 =	vld [tilespmem:s15+$0xFFFFFFD0]  }
0x331: {  	v3 =	vld [tilespmem:s18+$0x30]  }
0x332: {  	v4 =	vld [tilespmem:s15+$0xFFFFFFE0]  }
0x333: {  	v5 =	vld [tilespmem:s15+$0xFFFFFFF0]  }
0x334: {  	v6 =	vld [tilespmem:s15+$0x0]  }
0x335: {  	v7 =	vld [tilespmem:s15+$0x10]  }
0x336: {  	v8 =	vld [tilespmem:s15+$0x20]  }
0x337: {  	v9 =	vld [tilespmem:s18+$0xFFFFFFD0]  }
0x338: {  	v10 =	vld [tilespmem:s18+$0xFFFFFFE0]  }
0x339: {  	v11 =	vld [tilespmem:s18+$0xFFFFFFF0]  }
0x33a: {  	v12 =	vld [tilespmem:s18+$0x0]  }
0x33b: {  	v13 =	vld [tilespmem:s18+$0x10]  }
0x33c: {  	v14 =	vld [tilespmem:s18+$0x20]  }
0x33d: {  	s19 =	simm.s32 $0x140;
	v15 =	vld [tilespmem:s18+$0xFFFFFFC0];
	v0 =	vmul.f32 $1.442695020e+00, v0  }
0x33e: {  	s15 =	simm.s32 $0x5140;
	v16 =	vld [tilespmem:s19+$0x20];
	v1 =	vmul.f32 $1.442695020e+00, v1  }
0x33f: {  	v20 =	vld [tilespmem:s15+$0x0];
	v2 =	vmul.f32 $1.442695020e+00, v2;
	(erf) = vpow2.f32 v0  }
0x340: {  	v0 =	vld [tilespmem:s19+$0x30];
	(erf) = vpow2.f32 v1;
	v1 =	vmul.f32 $1.442695020e+00, v4  }
0x341: {  	v4 =	vld [tilespmem:s19+$0xFFFFFFC0];
	(erf) = vpow2.f32 v2;
	v2 =	vmul.f32 $1.442695020e+00, v5  }
0x342: {  	v6 =	vmul.f32 $1.442695020e+00, v6;
	v5 =	vld [tilespmem:s19+$0xFFFFFFD0];
	(erf) = vpow2.f32 v1  }
0x343: {  	v1 =	vld [tilespmem:s15+$0x30];
	(erf) = vpow2.f32 v2  }
0x344: {  	v7 =	vmul.f32 $1.442695020e+00, v7;
	(erf) = vpow2.f32 v6;
	v6 =	vld [tilespmem:s19+$0xFFFFFFF0]  }
0x345: {  	v2 =	vld [tilespmem:s19+$0xFFFFFFE0];
	v0 =	vmul.f32 $1.442695020e+00, v0  }
0x346: {  	v8 =	vmul.f32 $1.442695020e+00, v8;
	(erf) = vpow2.f32 v7;
	v7 =	vld [tilespmem:s19+$0x0]  }
0x347: {  	v3 =	vld.idx.msk [tilespmem:v3+s1+$0x0], $0xffff;
	v4 =	vmul.f32 $1.442695020e+00, v4  }
0x348: {  	v10 =	vld.idx.msk [tilespmem:v10+s1+$0x0], $0xffff;
	(erf) = vpow2.f32 v8;
	v5 =	vmul.f32 $1.442695020e+00, v5  }
0x349: {  	v11 =	vld.idx.msk [tilespmem:v11+s1+$0x0], $0xffff;
	(erf) = vpow2.f32 v0;
	v0 =	vpop (erf);
	v6 =	vmul.f32 $1.442695020e+00, v6  }
0x34a: {  	v8 =	vld [tilespmem:s19+$0x10];
	(erf) = vpow2.f32 v4;
	v2 =	vmul.f32 $1.442695020e+00, v2;
	v17 =	vpop (erf)  }
0x34b: {  	v13 =	vld.idx.msk [tilespmem:v13+s1+$0x0], $0xffff;
	(erf) = vpow2.f32 v5;
	v18 =	vpop (erf);
	v7 =	vmul.f32 $1.442695020e+00, v7  }
0x34c: {  	v19 =	vld.idx.msk [tilespmem:v1+s1+$0x0], $0xffff;
	(erf) = vpow2.f32 v2;
	v1 =	vpop (erf)  }
0x34d: {  	v9 =	vld.idx.msk [tilespmem:v9+s1+$0x0], $0xffff;
	v0 =	vmul.f32 v0, v3;
	(erf) = vpow2.f32 v6;
	v6 =	vpop (erf)  }
0x34e: {  	s16 =	simm.s32 $0xA0C0;
	v21 =	vld [tilespmem:s15+$0x10];
	v3 =	vpop (erf);
	v6 =	vmul.f32 v6, v11  }
0x34f: {  	v4 =	vld [tilespmem:s15+$0xFFFFFFD0];
	v8 =	vmul.f32 $1.442695020e+00, v8;
	[tilespmem:s16+$0x30] =	vst v0;
	(erf) = vpow2.f32 v7;
	v7 =	vpop (erf)  }
0x350: {  	v5 =	vld [tilespmem:s15+$0xFFFFFFE0];
	v0 =	vmul.f32 v1, v10;
	[tilespmem:s16+$0xFFFFFFF0] =	vst v6;
	v6 =	vmul.f32 v7, v13  }
0x351: {  	v12 =	vld.idx.msk [tilespmem:v12+s1+$0x0], $0xffff;
	(erf) = vpow2.f32 v8  }
0x352: {  	v2 =	vld [tilespmem:s15+$0xFFFFFFF0];
	v8 =	vmul.f32 v18, v9;
	v9 =	vpop (erf);
	[tilespmem:s16+$0x10] =	vst v6;
	v6 =	vmul.f32 $1.442695020e+00, v16  }
0x353: {  	v63 =	vld [tilespmem:s15+$0x20];
	v10 =	vpop (erf)  }
0x354: {  	v14 =	vld.idx.msk [tilespmem:v14+s1+$0x0], $0xffff;
	[tilespmem:s16+$0xFFFFFFE0] =	vst v0;
	v0 =	vpop (erf);
	(erf) = vpow2.f32 v6  }
0x355: {  	v15 =	vld.idx.msk [tilespmem:v15+s1+$0x0], $0xffff  }
0x356: {  	v1 =	vld [tilespmem:s15+$0xFFFFFFC0]  }
0x357: {  	v3 =	vmul.f32 v3, v12;
	v4 =	vld.idx.msk [tilespmem:v4+s1+$0x0], $0xffff  }
0x358: {  	[tilespmem:s16+$0xFFFFFFD0] =	vst v8;
	v7 =	vld.idx.msk [tilespmem:v5+s1+$0x0], $0xffff;
	v12 =	vmul.f32 v10, v19;
	v8 =	vpop (erf)  }
0x359: {  	[tilespmem:s16+$0x0] =	vst v3;
	v5 =	vmul.f32 v9, v14;
	v3 =	vld.idx.msk [tilespmem:v20+s1+$0x0], $0xffff;
	v11 =	vpop (erf)  }
0x35a: {  	v2 =	vld.idx.msk [tilespmem:v2+s1+$0x0], $0xffff;
	v9 =	vpop (erf)  }
0x35b: {  	s17 =	simm.s32 $0xA140;
	[tilespmem:s16+$0x20] =	vst v5;
	v5 =	vld.idx.msk [tilespmem:v21+s1+$0x0], $0xffff;
	v10 =	vpop (erf)  }
0x35c: {  	s18 =	simm.s32 $0x8;
	s19 =	simm.s32 $0x1C0;
	v13 =	vmul.f32 v17, v15;
	[tilespmem:s17+$0x30] =	vst v12;
	v6 =	vld.idx.msk [tilespmem:v63+s1+$0x0], $0xffff;
	v12 =	vpop (erf)  }
.LBB2_18:
0x35d: {  	v14 =	vld [tilespmem:s19+$0x30];
	s18 =	sadd.s32 $0x8, s18;
	v4 =	vmul.f32 v8, v4;
	v8 =	vpop (erf)  }
0x35e: {  	v7 =	vmul.f32 v11, v7;
	v15 =	vld [tilespmem:s19+$0xFFFFFFC0];
	p0 =	slt.u32 s18, $0x278;
	[tilespmem:s16+$0xFFFFFFC0] =	vst v13;
	s16 =	smov.u32 s17  }
0x35f: {  	s15 =	sadd.s32 $0x80, s15;
	v2 =	vmul.f32 v9, v2;
	v11 =	vld [tilespmem:s19+$0xFFFFFFD0];
	[tilespmem:s17+$0xFFFFFFD0] =	vst v4  }
0x360: {  	v3 =	vmul.f32 v10, v3;
	v4 =	vld [tilespmem:s15+$0x30];
	[tilespmem:s17+$0xFFFFFFE0] =	vst v7  }
0x361: {  	v7 =	vld [tilespmem:s19+$0xFFFFFFE0];
	[tilespmem:s17+$0xFFFFFFF0] =	vst v2;
	v2 =	vmul.f32 v12, v5  }
0x362: {  	v5 =	vld [tilespmem:s19+$0xFFFFFFF0];
	v9 =	vmul.f32 $1.442695020e+00, v14;
	[tilespmem:s17+$0x0] =	vst v3;
	v3 =	vmul.f32 v8, v6  }
0x363: {  	v6 =	vmul.f32 $1.442695020e+00, v15;
	v8 =	vld [tilespmem:s19+$0x0];
	[tilespmem:s17+$0x10] =	vst v2  }
0x364: {  	v2 =	vmul.f32 $1.442695020e+00, v11;
	v10 =	vld [tilespmem:s19+$0x10];
	(erf) = vpow2.f32 v9;
	[tilespmem:s17+$0x20] =	vst v3  }
0x365: {  	v3 =	vld [tilespmem:s19+$0x20];
	(erf) = vpow2.f32 v6  }
0x366: {  	v6 =	vld [tilespmem:s15+$0xFFFFFFD0];
	v7 =	vmul.f32 $1.442695020e+00, v7;
	(erf) = vpow2.f32 v2  }
0x367: {  	v2 =	vld [tilespmem:s15+$0xFFFFFFE0];
	v5 =	vmul.f32 $1.442695020e+00, v5  }
0x368: {  	v8 =	vmul.f32 $1.442695020e+00, v8;
	v4 =	vld.idx.msk [tilespmem:v4+s1+$0x0], $0xffff;
	(erf) = vpow2.f32 v7  }
0x369: {  	v9 =	vld [tilespmem:s15+$0xFFFFFFF0];
	v7 =	vmul.f32 $1.442695020e+00, v10;
	(erf) = vpow2.f32 v5  }
0x36a: {  	v5 =	vld [tilespmem:s15+$0x0];
	v11 =	vmul.f32 $1.442695020e+00, v3;
	(erf) = vpow2.f32 v8  }
0x36b: {  	v10 =	vld [tilespmem:s15+$0x10];
	(erf) = vpow2.f32 v7  }
0x36c: {  	v12 =	vld [tilespmem:s15+$0x20];
	(erf) = vpow2.f32 v11  }
0x36d: {  	v13 =	vld [tilespmem:s15+$0xFFFFFFC0];
	v3 =	vpop (erf)  }
0x36e: {  	v3 =	vmul.f32 v3, v4;
	v14 =	vpop (erf);
	v15 =	vld.idx.msk [tilespmem:v1+s1+$0x0], $0xffff  }
0x36f: {  	s17 =	sadd.s32 $0x80, s17;
	v4 =	vld.idx.msk [tilespmem:v6+s1+$0x0], $0xffff;
	v8 =	vpop (erf)  }
.Ltmp8:
0x370: {  	v7 =	vld.idx.msk [tilespmem:v2+s1+$0x0], $0xffff;
	[tilespmem:s17+$0x30] =	vst v3;
	(pc) =	sbr.rel @p0 .LBB2_18-.Ltmp8, $4  }
0x371: {  	v2 =	vld.idx.msk [tilespmem:v9+s1+$0x0], $0xffff;
	v11 =	vpop (erf)  }
0x372: {  	v3 =	vld.idx.msk [tilespmem:v5+s1+$0x0], $0xffff;
	v9 =	vpop (erf);
	v1 =	vmov v13  }
0x373: {  	v5 =	vld.idx.msk [tilespmem:v10+s1+$0x0], $0xffff;
	v10 =	vpop (erf)  }
0x374: {  	s19 =	sadd.s32 $0x80, s19;
	v13 =	vmul.f32 v0, v15;
	v0 =	vmov v14;
	v6 =	vld.idx.msk [tilespmem:v12+s1+$0x0], $0xffff;
	v12 =	vpop (erf)  }
0x375: {  	_ =	sdelay $0x2  }
0x376: {  	v4 =	vmul.f32 v8, v4  }
0x377: {  	v7 =	vmul.f32 v11, v7;
	v1 =	vld.idx.msk [tilespmem:v1+s1+$0x0], $0xffff;
	[tilespmem:s16+$0xFFFFFFC0] =	vst v13  }
0x378: {  	v2 =	vmul.f32 v9, v2;
	[tilespmem:s17+$0xFFFFFFD0] =	vst v4  }
0x379: {  	[tilespmem:s17+$0xFFFFFFE0] =	vst v7;
	v3 =	vmul.f32 v10, v3  }
0x37a: {  	[tilespmem:s17+$0xFFFFFFF0] =	vst v2;
	v2 =	vmul.f32 v12, v5;
	v4 =	vpop (erf)  }
0x37b: {  	[tilespmem:s17+$0x0] =	vst v3;
	v3 =	vmul.f32 v4, v6  }
0x37c: {  	[tilespmem:s17+$0x10] =	vst v2;
	v0 =	vmul.f32 v0, v1  }
0x37d: {  	[tilespmem:s17+$0x20] =	vst v3  }
0x37e: {  	[tilespmem:s17+$0xFFFFFFC0] =	vst v0  }
0x37f: {  	[hbm4b:s0+s1] =	stream.linear.scatter [tilespmem:s9], [sflag:$0x3], $0x2800, $0x38;
	[tilespmem:$0xF080] =	vst v63  }
0x380: {  	_ =	swait.ge [sflag:s10], $0x2800  }
0x381: {  	[sflag:s10] =	ssyncset.done $0x0  }
0x382: {  	[sflag:s10] =	ssyncadd.s32 $0xFFFFD800  }
0x383: {  	_ =	swait.ge [sflag:s10], $0x2800  }
0x384: {  	[sflag:s10] =	ssyncset.done $0x0  }
0x385: {  	[sflag:s10] =	ssyncadd.s32 $0xFFFFD800  }
0x386: {  	_ =	swait.ge [sflag:s13], $0x2800  }
0x387: {  	[sflag:s13] =	ssyncset.done $0x0  }
0x388: {  	s15 =	simm.s32 $0x28C0;
	[sflag:s13] =	ssyncadd.s32 $0xFFFFD800  }
0x389: {  	v0 =	vld [tilespmem:s15+$0x30]  }
0x38a: {  	v1 =	vld [tilespmem:s15+$0xFFFFFFC0]  }
0x38b: {  	s18 =	simm.s32 $0x78C0;
	v2 =	vld [tilespmem:s15+$0xFFFFFFD0]  }
0x38c: {  	v3 =	vld [tilespmem:s18+$0x30]  }
0x38d: {  	v4 =	vld [tilespmem:s15+$0xFFFFFFE0]  }
0x38e: {  	v5 =	vld [tilespmem:s15+$0xFFFFFFF0]  }
0x38f: {  	v6 =	vld [tilespmem:s15+$0x0]  }
0x390: {  	v7 =	vld [tilespmem:s15+$0x10]  }
0x391: {  	v8 =	vld [tilespmem:s15+$0x20]  }
0x392: {  	v9 =	vld [tilespmem:s18+$0xFFFFFFD0]  }
0x393: {  	v10 =	vld [tilespmem:s18+$0xFFFFFFE0]  }
0x394: {  	v11 =	vld [tilespmem:s18+$0xFFFFFFF0]  }
0x395: {  	v12 =	vld [tilespmem:s18+$0x0]  }
0x396: {  	v13 =	vld [tilespmem:s18+$0x10]  }
0x397: {  	v14 =	vld [tilespmem:s18+$0x20]  }
0x398: {  	s19 =	simm.s32 $0x2940;
	v15 =	vld [tilespmem:s18+$0xFFFFFFC0];
	v0 =	vmul.f32 $1.442695020e+00, v0  }
0x399: {  	s15 =	simm.s32 $0x7940;
	v16 =	vld [tilespmem:s19+$0x20];
	v1 =	vmul.f32 $1.442695020e+00, v1  }
0x39a: {  	v20 =	vld [tilespmem:s15+$0x0];
	v2 =	vmul.f32 $1.442695020e+00, v2;
	(erf) = vpow2.f32 v0  }
0x39b: {  	v0 =	vld [tilespmem:s19+$0x30];
	(erf) = vpow2.f32 v1;
	v1 =	vmul.f32 $1.442695020e+00, v4  }
0x39c: {  	v4 =	vld [tilespmem:s19+$0xFFFFFFC0];
	(erf) = vpow2.f32 v2;
	v2 =	vmul.f32 $1.442695020e+00, v5  }
0x39d: {  	v6 =	vmul.f32 $1.442695020e+00, v6;
	v5 =	vld [tilespmem:s19+$0xFFFFFFD0];
	(erf) = vpow2.f32 v1  }
0x39e: {  	v1 =	vld [tilespmem:s15+$0x30];
	(erf) = vpow2.f32 v2  }
0x39f: {  	v7 =	vmul.f32 $1.442695020e+00, v7;
	(erf) = vpow2.f32 v6;
	v6 =	vld [tilespmem:s19+$0xFFFFFFF0]  }
0x3a0: {  	v2 =	vld [tilespmem:s19+$0xFFFFFFE0];
	v0 =	vmul.f32 $1.442695020e+00, v0  }
0x3a1: {  	v8 =	vmul.f32 $1.442695020e+00, v8;
	(erf) = vpow2.f32 v7;
	v7 =	vld [tilespmem:s19+$0x0]  }
0x3a2: {  	v3 =	vld.idx.msk [tilespmem:v3+s1+$0x0], $0xffff;
	v4 =	vmul.f32 $1.442695020e+00, v4  }
0x3a3: {  	v10 =	vld.idx.msk [tilespmem:v10+s1+$0x0], $0xffff;
	(erf) = vpow2.f32 v8;
	v5 =	vmul.f32 $1.442695020e+00, v5  }
0x3a4: {  	v11 =	vld.idx.msk [tilespmem:v11+s1+$0x0], $0xffff;
	(erf) = vpow2.f32 v0;
	v0 =	vpop (erf);
	v6 =	vmul.f32 $1.442695020e+00, v6  }
0x3a5: {  	v8 =	vld [tilespmem:s19+$0x10];
	(erf) = vpow2.f32 v4;
	v2 =	vmul.f32 $1.442695020e+00, v2;
	v17 =	vpop (erf)  }
0x3a6: {  	v13 =	vld.idx.msk [tilespmem:v13+s1+$0x0], $0xffff;
	(erf) = vpow2.f32 v5;
	v18 =	vpop (erf);
	v7 =	vmul.f32 $1.442695020e+00, v7  }
0x3a7: {  	v19 =	vld.idx.msk [tilespmem:v1+s1+$0x0], $0xffff;
	(erf) = vpow2.f32 v2;
	v1 =	vpop (erf)  }
0x3a8: {  	v9 =	vld.idx.msk [tilespmem:v9+s1+$0x0], $0xffff;
	v0 =	vmul.f32 v0, v3;
	(erf) = vpow2.f32 v6;
	v6 =	vpop (erf)  }
0x3a9: {  	s16 =	simm.s32 $0xC8C0;
	v21 =	vld [tilespmem:s15+$0x10];
	v3 =	vpop (erf);
	v6 =	vmul.f32 v6, v11  }
0x3aa: {  	v4 =	vld [tilespmem:s15+$0xFFFFFFD0];
	v8 =	vmul.f32 $1.442695020e+00, v8;
	[tilespmem:s16+$0x30] =	vst v0;
	(erf) = vpow2.f32 v7;
	v7 =	vpop (erf)  }
0x3ab: {  	v5 =	vld [tilespmem:s15+$0xFFFFFFE0];
	v0 =	vmul.f32 v1, v10;
	[tilespmem:s16+$0xFFFFFFF0] =	vst v6;
	v6 =	vmul.f32 v7, v13  }
0x3ac: {  	v12 =	vld.idx.msk [tilespmem:v12+s1+$0x0], $0xffff;
	(erf) = vpow2.f32 v8  }
0x3ad: {  	v2 =	vld [tilespmem:s15+$0xFFFFFFF0];
	v8 =	vmul.f32 v18, v9;
	v9 =	vpop (erf);
	[tilespmem:s16+$0x10] =	vst v6;
	v6 =	vmul.f32 $1.442695020e+00, v16  }
0x3ae: {  	v63 =	vld [tilespmem:s15+$0x20];
	v10 =	vpop (erf)  }
0x3af: {  	v14 =	vld.idx.msk [tilespmem:v14+s1+$0x0], $0xffff;
	[tilespmem:s16+$0xFFFFFFE0] =	vst v0;
	v0 =	vpop (erf);
	(erf) = vpow2.f32 v6  }
0x3b0: {  	v15 =	vld.idx.msk [tilespmem:v15+s1+$0x0], $0xffff  }
0x3b1: {  	v1 =	vld [tilespmem:s15+$0xFFFFFFC0]  }
0x3b2: {  	v3 =	vmul.f32 v3, v12;
	v4 =	vld.idx.msk [tilespmem:v4+s1+$0x0], $0xffff  }
0x3b3: {  	[tilespmem:s16+$0xFFFFFFD0] =	vst v8;
	v7 =	vld.idx.msk [tilespmem:v5+s1+$0x0], $0xffff;
	v12 =	vmul.f32 v10, v19;
	v8 =	vpop (erf)  }
0x3b4: {  	[tilespmem:s16+$0x0] =	vst v3;
	v5 =	vmul.f32 v9, v14;
	v3 =	vld.idx.msk [tilespmem:v20+s1+$0x0], $0xffff;
	v11 =	vpop (erf)  }
0x3b5: {  	v2 =	vld.idx.msk [tilespmem:v2+s1+$0x0], $0xffff;
	v9 =	vpop (erf)  }
0x3b6: {  	s17 =	simm.s32 $0xC940;
	[tilespmem:s16+$0x20] =	vst v5;
	v5 =	vld.idx.msk [tilespmem:v21+s1+$0x0], $0xffff;
	v10 =	vpop (erf)  }
0x3b7: {  	s18 =	simm.s32 $0x8;
	s19 =	simm.s32 $0x29C0;
	v13 =	vmul.f32 v17, v15;
	[tilespmem:s17+$0x30] =	vst v12;
	v6 =	vld.idx.msk [tilespmem:v63+s1+$0x0], $0xffff;
	v12 =	vpop (erf)  }
.LBB2_20:
0x3b8: {  	v14 =	vld [tilespmem:s19+$0x30];
	s18 =	sadd.s32 $0x8, s18;
	v4 =	vmul.f32 v8, v4;
	v8 =	vpop (erf)  }
0x3b9: {  	v7 =	vmul.f32 v11, v7;
	v15 =	vld [tilespmem:s19+$0xFFFFFFC0];
	p0 =	slt.u32 s18, $0x278;
	[tilespmem:s16+$0xFFFFFFC0] =	vst v13;
	s16 =	smov.u32 s17  }
0x3ba: {  	s15 =	sadd.s32 $0x80, s15;
	v2 =	vmul.f32 v9, v2;
	v11 =	vld [tilespmem:s19+$0xFFFFFFD0];
	[tilespmem:s17+$0xFFFFFFD0] =	vst v4  }
0x3bb: {  	v3 =	vmul.f32 v10, v3;
	v4 =	vld [tilespmem:s15+$0x30];
	[tilespmem:s17+$0xFFFFFFE0] =	vst v7  }
0x3bc: {  	v7 =	vld [tilespmem:s19+$0xFFFFFFE0];
	[tilespmem:s17+$0xFFFFFFF0] =	vst v2;
	v2 =	vmul.f32 v12, v5  }
0x3bd: {  	v5 =	vld [tilespmem:s19+$0xFFFFFFF0];
	v9 =	vmul.f32 $1.442695020e+00, v14;
	[tilespmem:s17+$0x0] =	vst v3;
	v3 =	vmul.f32 v8, v6  }
0x3be: {  	v6 =	vmul.f32 $1.442695020e+00, v15;
	v8 =	vld [tilespmem:s19+$0x0];
	[tilespmem:s17+$0x10] =	vst v2  }
0x3bf: {  	v2 =	vmul.f32 $1.442695020e+00, v11;
	v10 =	vld [tilespmem:s19+$0x10];
	(erf) = vpow2.f32 v9;
	[tilespmem:s17+$0x20] =	vst v3  }
0x3c0: {  	v3 =	vld [tilespmem:s19+$0x20];
	(erf) = vpow2.f32 v6  }
0x3c1: {  	v6 =	vld [tilespmem:s15+$0xFFFFFFD0];
	v7 =	vmul.f32 $1.442695020e+00, v7;
	(erf) = vpow2.f32 v2  }
0x3c2: {  	v2 =	vld [tilespmem:s15+$0xFFFFFFE0];
	v5 =	vmul.f32 $1.442695020e+00, v5  }
0x3c3: {  	v8 =	vmul.f32 $1.442695020e+00, v8;
	v4 =	vld.idx.msk [tilespmem:v4+s1+$0x0], $0xffff;
	(erf) = vpow2.f32 v7  }
0x3c4: {  	v9 =	vld [tilespmem:s15+$0xFFFFFFF0];
	v7 =	vmul.f32 $1.442695020e+00, v10;
	(erf) = vpow2.f32 v5  }
0x3c5: {  	v5 =	vld [tilespmem:s15+$0x0];
	v11 =	vmul.f32 $1.442695020e+00, v3;
	(erf) = vpow2.f32 v8  }
0x3c6: {  	v10 =	vld [tilespmem:s15+$0x10];
	(erf) = vpow2.f32 v7  }
0x3c7: {  	v12 =	vld [tilespmem:s15+$0x20];
	(erf) = vpow2.f32 v11  }
0x3c8: {  	v13 =	vld [tilespmem:s15+$0xFFFFFFC0];
	v3 =	vpop (erf)  }
0x3c9: {  	v3 =	vmul.f32 v3, v4;
	v14 =	vpop (erf);
	v15 =	vld.idx.msk [tilespmem:v1+s1+$0x0], $0xffff  }
0x3ca: {  	s17 =	sadd.s32 $0x80, s17;
	v4 =	vld.idx.msk [tilespmem:v6+s1+$0x0], $0xffff;
	v8 =	vpop (erf)  }
.Ltmp9:
0x3cb: {  	v7 =	vld.idx.msk [tilespmem:v2+s1+$0x0], $0xffff;
	[tilespmem:s17+$0x30] =	vst v3;
	(pc) =	sbr.rel @p0 .LBB2_20-.Ltmp9, $4  }
0x3cc: {  	v2 =	vld.idx.msk [tilespmem:v9+s1+$0x0], $0xffff;
	v11 =	vpop (erf)  }
0x3cd: {  	v3 =	vld.idx.msk [tilespmem:v5+s1+$0x0], $0xffff;
	v9 =	vpop (erf);
	v1 =	vmov v13  }
0x3ce: {  	v5 =	vld.idx.msk [tilespmem:v10+s1+$0x0], $0xffff;
	v10 =	vpop (erf)  }
0x3cf: {  	s19 =	sadd.s32 $0x80, s19;
	v13 =	vmul.f32 v0, v15;
	v0 =	vmov v14;
	v6 =	vld.idx.msk [tilespmem:v12+s1+$0x0], $0xffff;
	v12 =	vpop (erf)  }
0x3d0: {  	_ =	sdelay $0x2  }
0x3d1: {  	v4 =	vmul.f32 v8, v4  }
0x3d2: {  	v7 =	vmul.f32 v11, v7;
	v1 =	vld.idx.msk [tilespmem:v1+s1+$0x0], $0xffff;
	[tilespmem:s16+$0xFFFFFFC0] =	vst v13  }
0x3d3: {  	v2 =	vmul.f32 v9, v2;
	[tilespmem:s17+$0xFFFFFFD0] =	vst v4  }
0x3d4: {  	[tilespmem:s17+$0xFFFFFFE0] =	vst v7;
	v3 =	vmul.f32 v10, v3  }
0x3d5: {  	v61 =	vpop (erf);
	[tilespmem:s17+$0xFFFFFFF0] =	vst v2;
	v62 =	vmul.f32 v12, v5  }
0x3d6: {  	[tilespmem:s17+$0x0] =	vst v3;
	v63 =	vmul.f32 v61, v6  }
0x3d7: {  	[tilespmem:s17+$0x10] =	vst v62;
	v0 =	vmul.f32 v0, v1  }
0x3d8: {  	[tilespmem:s17+$0x20] =	vst v63  }
0x3d9: {  	s14 =	sadd.s32 $0x1, s14;
	[tilespmem:s17+$0xFFFFFFC0] =	vst v0  }
0x3da: {  	[hbm4b:s30+s1] =	stream.linear.scatter [tilespmem:s11], [sflag:$0x4], $0x2800, $0x38;
	[tilespmem:$0xF080] =	vst v63  }
0x3db: {  	p0 =	sne.s32 s14, s2;
	_ =	swait.ge [sflag:s13], $0x2800  }
.Ltmp10:
0x3dc: {  	[sflag:s13] =	ssyncset.done $0x0;
	(pc) =	sbr.rel @p0 .LBB2_1-.Ltmp10, $4  }
0x3dd: {  	[sflag:s13] =	ssyncadd.s32 $0xFFFFD800  }
0x3de: {  	_ =	swait.ge [sflag:s12], $0x2800  }
0x3df: {  	[sflag:s12] =	ssyncset.done $0x0  }
0x3e0: {  	[sflag:s12] =	ssyncadd.s32 $0xFFFFD800  }
0x3e1: {  	_ =	sfence.sel $0x180000  }
0x3e2: {  	[bflag:$0x0] =	sbarrier.arrive $0xFFFF  }
0x3e3: {  	_ =	strace $0x90000047  }
0x3e4: {  	s0 =	stileid.u32;
	[bflag:$0x2] =	sbarrier.arrive $0xFFFF  }
0x3e5: {  	p0 =	sne.s32 s0, $0x0;
	s0 =	rddreg [dreg:$0x3]  }
0x3e6: {  	s0 =	sadd.s32 @!p0 $0x100000, s0  }
0x3e7: {  	[sflag:s0] =	ssyncadd.tile.s32 @!p0 $0x1;
	_ =	shalt  }
.Lfunc_end2:
_tile_overlayer_lowered:
.L_overlay_start_2:
0x3e8: {  	(tag) =	ssettag $0x2  }
0x3e9: {  	s0 =	rddreg [dreg:$0x0];
	s2 =	stileid.u32  }
0x3ea: {  	s1 =	rddreg [dreg:$0x1];
	p0 =	sne.s32 s2, $0x0  }
0x3eb: {  	s3 =	rddreg [dreg:$0x2];
	[bflag:$0x3] =	sbarrier.arrive $0xFFFF;
	s2 =	simm.s32 @!p0 $0x1C05  }
0x3ec: {  	[timem:s3], [sflag:s2] =	dma.local @!p0 [hbm:s0], s1  }
0x3ed: {  	s0 =	simm.s32 @!p0 $0x5  }
0x3ee: {  	_ =	swait.ge @!p0 [sflag:s0], s1  }
0x3ef: {  	s1 =	ssub.s32 @!p0 $0x0, s1;
	[sflag:s0] =	ssyncset.done @!p0 $0x0  }
0x3f0: {  	[sflag:s0] =	ssyncadd.s32 @!p0 s1  }
0x3f1: {  	[bflag:$0x3] =	sbarrier.arrive $0xFFFF  }
0x3f2: {  	_ =	shalt  }

</sc_bundles>
